<compile_context>
chip_gen: v7x
topology: tpu7x:2x2x1
jax: 0.10.2.dev20260603
libtpu: 0.0.44.dev20260713+nightly
codegen_flags: <defaults>
</compile_context>

<pallas_src>
import functools

import jax
import jax.numpy as jnp
from jax import lax
from jax.experimental import pallas as pl
from jax.experimental.pallas import tpu as pltpu
from jax.experimental.pallas import tpu_sc as plsc

_D = 32
_NC = 2
_NS = 16
_NW = _NC * _NS
_H = 50
_B = 16384
_BPW = _B // _NW


@functools.lru_cache(maxsize=None)
def _make_gather():
    mesh = plsc.VectorSubcoreMesh(core_axis_name="c", subcore_axis_name="s")

    @functools.partial(
        pl.kernel,
        mesh=mesh,
        out_type=jax.ShapeDtypeStruct((_H, _B, _D), jnp.float32),
        scratch_types=[
            pltpu.VMEM((_H, _BPW), jnp.int32),
            pltpu.VMEM((4, _BPW, _D), jnp.float32),
        ]
        + [pltpu.SemaphoreType.DMA] * 4,
        compiler_params=pltpu.CompilerParams(
            use_tc_tiling_on_sc=False, needs_layout_passes=False
        ),
    )
    def k(table_hbm, idx_hbm, out_hbm, idx_v, rows_v, gs0, gs1, os0, os1):
        gsems = (gs0, gs1)
        osems = (os0, os1)
        wid = lax.axis_index("s") * _NC + lax.axis_index("c")
        b0 = wid * _BPW

        pltpu.sync_copy(idx_hbm.at[:, pl.ds(b0, _BPW)], idx_v)

        def gather(h, buf):
            return pltpu.make_async_copy(
                table_hbm.at[idx_v.at[h]], rows_v.at[buf], gsems[buf % 2]
            )

        def outcp(h, buf):
            return pltpu.make_async_copy(
                rows_v.at[buf],
                out_hbm.at[h, pl.ds(b0, _BPW)],
                osems[buf % 2],
            )

        gather(0, 0).start()
        gather(1, 1).start()

        def step(h, buf):
            gather(h, buf).wait()
            outcp(h, buf).start()

            @pl.when(h >= 2)
            def _():
                outcp(h - 2, (buf + 2) % 4).wait()

            @pl.when(h + 2 < _H)
            def _():
                gather(h + 2, (buf + 2) % 4).start()

        def body(o, carry):
            h0 = 4 * o
            for j in range(4):
                step(h0 + j, j)
            return carry

        lax.fori_loop(0, (_H - 2) // 4, body, 0)

        for h in range(((_H - 2) // 4) * 4, _H):
            gather(h, h % 4).wait()
            outcp(h, h % 4).start()
            outcp(h - 2, (h - 2) % 4).wait()

        outcp(_H - 2, (_H - 2) % 4).wait()
        outcp(_H - 1, (_H - 1) % 4).wait()

    return k


@jax.jit
def _run(idx_t, weight):
    return _make_gather()(weight, idx_t)


def kernel(input, weight):
    idx_t = input.astype(jnp.int32).T.reshape(_H, _B)
    o_hbd = _run(idx_t, weight)
    return o_hbd.transpose(1, 0, 2)

# --- scband reference (transcript-rebuilt; emitter-appended) ---
"""Pipeline reference for scband-embedding1-d-87230785781858 (READ-ONLY COPY).

The authoritative reference and input builder live on the scoring server;
editing this copy changes nothing except your own understanding.
"""

import jax, jax.numpy as jnp
import numpy as np

NUM_EMBEDDINGS = 1000000
EMBED_DIM = 32
BATCH = 16384
HIST = 50

def setup_inputs(seed: int = 0) -> dict:
    key = jax.random.key(seed)
    k1, k2 = jax.random.split(key)
    input_ids = jax.random.randint(k1, (BATCH, HIST), 0, NUM_EMBEDDINGS, dtype=jnp.int64)
    weight = jax.random.normal(k2, (NUM_EMBEDDINGS, EMBED_DIM), dtype=jnp.float32)
    return {"input": input_ids, "weight": weight}

def reference(input, weight):
    # F.embedding with padding_idx=None, max_norm=None -> pure gather
    out = jnp.take(weight, input, axis=0)
    # gather_forward_split_backward with world_size=1 is identity in forward
    return out

if __name__ == "__main__":
    import jax
    _d = setup_inputs()
    print(jax.jit(kernel)(*tuple(_d.values())))

</pallas_src>

<mosaic_0001>
#map = affine_map<(d0, d1) -> (0, 0)>
#map1 = affine_map<(d0, d1) -> (0, 0, 0)>
module attributes {stable_mosaic.version = 14 : i64} {
  func.func @k(%arg0: i32, %arg1: i32, %arg2: memref<1000000x32xf32, #tpu.memory_space<hbm>>, %arg3: memref<50x16384xi32, #tpu.memory_space<hbm>>, %arg4: memref<50x16384x32xf32, #tpu.memory_space<hbm>>, %arg5: memref<50x512xi32, #tpu.memory_space<vmem>>, %arg6: memref<4x512x32xf32, #tpu.memory_space<vmem>>, %arg7: memref<!tpu.dma_semaphore, #tpu.memory_space<semaphore_mem>>, %arg8: memref<!tpu.dma_semaphore, #tpu.memory_space<semaphore_mem>>, %arg9: memref<!tpu.dma_semaphore, #tpu.memory_space<semaphore_mem>>, %arg10: memref<!tpu.dma_semaphore, #tpu.memory_space<semaphore_mem>>) attributes {dimension_semantics = [#tpu.dimension_semantics<core_parallel>, #tpu.dimension_semantics<subcore_parallel>], iteration_bounds = array<i64: 2, 16>, scalar_prefetch = 0 : i64, scratch_operands = 6 : i64, tpu.core_type = #tpu.core_type<sc_vector_subcore>, window_params = [{transform_indices = #map}, {transform_indices = #map}, {transform_indices = #map1}]} {
    %mul3A = arith.constant 2 : i32
    %mul3A_0 = arith.muli %arg1, %mul3A : i32
    %add3A = arith.addi %mul3A_0, %arg0 : i32
    %mul3A_1 = arith.constant 512 : i32
    %mul3A_2 = arith.muli %add3A, %mul3A_1 : i32
    "tpu.region"() ({
      %run_scoped3A = tpu.sem_alloc : memref<!tpu.dma_semaphore, #tpu.memory_space<semaphore_mem>>
      %dma_start3A_150 = arith.constant 0 : i32
      %dma_start3A_151 = tpu.memref_slice %arg3[%dma_start3A_150, %mul3A_2] : memref<50x16384xi32, #tpu.memory_space<hbm>> -> memref<50x512xi32, #tpu.memory_space<hbm>>
      %dma_start3A_152 = arith.constant 0 : i32
      %dma_start3A_153 = tpu.memref_slice %arg3[%dma_start3A_152, %mul3A_2] : memref<50x16384xi32, #tpu.memory_space<hbm>> -> memref<50x512xi32, #tpu.memory_space<hbm>>
      tpu.enqueue_dma source(%dma_start3A_153 : memref<50x512xi32, #tpu.memory_space<hbm>>) target(%arg5 : memref<50x512xi32, #tpu.memory_space<vmem>>) target_semaphore(%run_scoped3A : memref<!tpu.dma_semaphore, #tpu.memory_space<semaphore_mem>>)
      %dma_wait3A_154 = arith.constant 0 : i32
      %dma_wait3A_155 = tpu.memref_slice %arg3[%dma_wait3A_154, %mul3A_2] : memref<50x16384xi32, #tpu.memory_space<hbm>> -> memref<50x512xi32, #tpu.memory_space<hbm>>
      %dma_wait3A_156 = arith.constant 0 : i32
      %dma_wait3A_157 = tpu.memref_slice %arg3[%dma_wait3A_156, %mul3A_2] : memref<50x16384xi32, #tpu.memory_space<hbm>> -> memref<50x512xi32, #tpu.memory_space<hbm>>
      tpu.wait_dma2 semaphore(%run_scoped3A : memref<!tpu.dma_semaphore, #tpu.memory_space<semaphore_mem>>) src(%dma_wait3A_157 : memref<50x512xi32, #tpu.memory_space<hbm>>) dst(%arg5 : memref<50x512xi32, #tpu.memory_space<vmem>>)
      tpu.yield
    }) : () -> ()
    %dma_start3A = arith.constant 0 : i32
    %dma_start3A_3 = arith.constant 0 : i32
    %dma_start3A_4 = arith.constant 0 : i32
    %dma_start3A_5 = arith.constant 0 : i32
    %dma_start3A_6 = tpu.memref_slice %arg6[%dma_start3A_3, %dma_start3A_4, %dma_start3A_5] : memref<4x512x32xf32, #tpu.memory_space<vmem>> -> memref<1x512x32xf32, #tpu.memory_space<vmem>>
    %dma_start3A_7 = tpu.memref_squeeze %dma_start3A_6 : memref<1x512x32xf32, #tpu.memory_space<vmem>> -> memref<512x32xf32, #tpu.memory_space<vmem>>
    %dma_start3A_8 = arith.constant 0 : i32
    %dma_start3A_9 = tpu.memref_slice %arg5[%dma_start3A, %dma_start3A_8] : memref<50x512xi32, #tpu.memory_space<vmem>> -> memref<1x512xi32, #tpu.memory_space<vmem>>
    %dma_start3A_10 = tpu.memref_squeeze %dma_start3A_9 : memref<1x512xi32, #tpu.memory_space<vmem>> -> memref<512xi32, #tpu.memory_space<vmem>>
    %dma_start3A_11 = arith.constant 0 : i32
    %dma_start3A_12 = arith.constant 0 : i32
    %dma_start3A_13 = tpu.memref_slice %arg2[%dma_start3A_11, %dma_start3A_12] : memref<1000000x32xf32, #tpu.memory_space<hbm>> -> memref<1000000x32xf32, #tpu.memory_space<hbm>>
    tpu.enqueue_indirect_dma source(%dma_start3A_13 : memref<1000000x32xf32, #tpu.memory_space<hbm>>) target(%dma_start3A_7 : memref<512x32xf32, #tpu.memory_space<vmem>>) offsets(%dma_start3A_10 : memref<512xi32, #tpu.memory_space<vmem>>) semaphore(%arg7 : memref<!tpu.dma_semaphore, #tpu.memory_space<semaphore_mem>>)
    %dma_start3A_14 = arith.constant 1 : i32
    %dma_start3A_15 = arith.constant 1 : i32
    %dma_start3A_16 = arith.constant 0 : i32
    %dma_start3A_17 = arith.constant 0 : i32
    %dma_start3A_18 = tpu.memref_slice %arg6[%dma_start3A_15, %dma_start3A_16, %dma_start3A_17] : memref<4x512x32xf32, #tpu.memory_space<vmem>> -> memref<1x512x32xf32, #tpu.memory_space<vmem>>
    %dma_start3A_19 = tpu.memref_squeeze %dma_start3A_18 : memref<1x512x32xf32, #tpu.memory_space<vmem>> -> memref<512x32xf32, #tpu.memory_space<vmem>>
    %dma_start3A_20 = arith.constant 0 : i32
    %dma_start3A_21 = tpu.memref_slice %arg5[%dma_start3A_14, %dma_start3A_20] : memref<50x512xi32, #tpu.memory_space<vmem>> -> memref<1x512xi32, #tpu.memory_space<vmem>>
    %dma_start3A_22 = tpu.memref_squeeze %dma_start3A_21 : memref<1x512xi32, #tpu.memory_space<vmem>> -> memref<512xi32, #tpu.memory_space<vmem>>
    %dma_start3A_23 = arith.constant 0 : i32
    %dma_start3A_24 = arith.constant 0 : i32
    %dma_start3A_25 = tpu.memref_slice %arg2[%dma_start3A_23, %dma_start3A_24] : memref<1000000x32xf32, #tpu.memory_space<hbm>> -> memref<1000000x32xf32, #tpu.memory_space<hbm>>
    tpu.enqueue_indirect_dma source(%dma_start3A_25 : memref<1000000x32xf32, #tpu.memory_space<hbm>>) target(%dma_start3A_19 : memref<512x32xf32, #tpu.memory_space<vmem>>) offsets(%dma_start3A_22 : memref<512xi32, #tpu.memory_space<vmem>>) semaphore(%arg8 : memref<!tpu.dma_semaphore, #tpu.memory_space<semaphore_mem>>)
    %scan3A = arith.constant 0 : i32
    %scan3A_26 = arith.constant 0 : i32
    %scan3A_27 = arith.constant 12 : i32
    %scan3A_28 = arith.addi %scan3A_26, %scan3A_27 : i32
    %scan3A_29 = arith.constant 1 : i32
    scf.for %scan3A_150 = %scan3A_26 to %scan3A_28 step %scan3A_29  : i32 {
      %mul3A_151 = arith.constant 4 : i32
      %mul3A_152 = arith.muli %mul3A_151, %scan3A_150 : i32
      %add3A_153 = arith.constant 0 : i32
      %add3A_154 = arith.addi %mul3A_152, %add3A_153 : i32
      %dma_wait3A_155 = arith.constant 0 : i32
      %dma_wait3A_156 = arith.constant 0 : i32
      %dma_wait3A_157 = arith.constant 0 : i32
      %dma_wait3A_158 = tpu.memref_slice %arg6[%dma_wait3A_155, %dma_wait3A_156, %dma_wait3A_157] : memref<4x512x32xf32, #tpu.memory_space<vmem>> -> memref<1x512x32xf32, #tpu.memory_space<vmem>>
      %dma_wait3A_159 = tpu.memref_squeeze %dma_wait3A_158 : memref<1x512x32xf32, #tpu.memory_space<vmem>> -> memref<512x32xf32, #tpu.memory_space<vmem>>
      %dma_wait3A_160 = arith.constant 0 : i32
      %dma_wait3A_161 = tpu.memref_slice %arg5[%add3A_154, %dma_wait3A_160] : memref<50x512xi32, #tpu.memory_space<vmem>> -> memref<1x512xi32, #tpu.memory_space<vmem>>
      %dma_wait3A_162 = tpu.memref_squeeze %dma_wait3A_161 : memref<1x512xi32, #tpu.memory_space<vmem>> -> memref<512xi32, #tpu.memory_space<vmem>>
      %dma_wait3A_163 = arith.constant 0 : i32
      %dma_wait3A_164 = arith.constant 0 : i32
      %dma_wait3A_165 = tpu.memref_slice %arg2[%dma_wait3A_163, %dma_wait3A_164] : memref<1000000x32xf32, #tpu.memory_space<hbm>> -> memref<1000000x32xf32, #tpu.memory_space<hbm>>
      tpu.wait_indirect_dma semaphore(%arg7 : memref<!tpu.dma_semaphore, #tpu.memory_space<semaphore_mem>>) src(%dma_wait3A_165 : memref<1000000x32xf32, #tpu.memory_space<hbm>>) dst(%dma_wait3A_159 : memref<512x32xf32, #tpu.memory_space<vmem>>)
      %dma_start3A_166 = arith.constant 0 : i32
      %dma_start3A_167 = arith.constant 0 : i32
      %dma_start3A_168 = arith.constant 0 : i32
      %dma_start3A_169 = tpu.memref_slice %arg6[%dma_start3A_166, %dma_start3A_167, %dma_start3A_168] : memref<4x512x32xf32, #tpu.memory_space<vmem>> -> memref<1x512x32xf32, #tpu.memory_space<vmem>>
      %dma_start3A_170 = tpu.memref_squeeze %dma_start3A_169 : memref<1x512x32xf32, #tpu.memory_space<vmem>> -> memref<512x32xf32, #tpu.memory_space<vmem>>
      %dma_start3A_171 = arith.constant 0 : i32
      %dma_start3A_172 = tpu.memref_slice %arg4[%add3A_154, %mul3A_2, %dma_start3A_171] : memref<50x16384x32xf32, #tpu.memory_space<hbm>> -> memref<1x512x32xf32, #tpu.memory_space<hbm>>
      %dma_start3A_173 = tpu.memref_squeeze %dma_start3A_172 : memref<1x512x32xf32, #tpu.memory_space<hbm>> -> memref<512x32xf32, #tpu.memory_space<hbm>>
      %dma_start3A_174 = arith.constant 0 : i32
      %dma_start3A_175 = tpu.memref_slice %arg4[%add3A_154, %mul3A_2, %dma_start3A_174] : memref<50x16384x32xf32, #tpu.memory_space<hbm>> -> memref<1x512x32xf32, #tpu.memory_space<hbm>>
      %dma_start3A_176 = tpu.memref_squeeze %dma_start3A_175 : memref<1x512x32xf32, #tpu.memory_space<hbm>> -> memref<512x32xf32, #tpu.memory_space<hbm>>
      %dma_start3A_177 = arith.constant 0 : i32
      %dma_start3A_178 = arith.constant 0 : i32
      %dma_start3A_179 = tpu.memref_slice %arg6[%dma_start3A_166, %dma_start3A_177, %dma_start3A_178] : memref<4x512x32xf32, #tpu.memory_space<vmem>> -> memref<1x512x32xf32, #tpu.memory_space<vmem>>
      %dma_start3A_180 = tpu.memref_squeeze %dma_start3A_179 : memref<1x512x32xf32, #tpu.memory_space<vmem>> -> memref<512x32xf32, #tpu.memory_space<vmem>>
      tpu.enqueue_dma source(%dma_start3A_180 : memref<512x32xf32, #tpu.memory_space<vmem>>) target(%dma_start3A_176 : memref<512x32xf32, #tpu.memory_space<hbm>>) target_semaphore(%arg9 : memref<!tpu.dma_semaphore, #tpu.memory_space<semaphore_mem>>)
      %ge3A = arith.constant 2 : i32
      %ge3A_181 = arith.cmpi sge, %add3A_154, %ge3A : i32
      %convert_element_type3A = arith.extui %ge3A_181 : i1 to i32
      %cond3A = arith.constant 0 : i32
      %cond3A_182 = arith.cmpi ne, %convert_element_type3A, %cond3A : i32
      scf.if %cond3A_182 {
        %sub3A = arith.constant 2 : i32
        %sub3A_309 = arith.subi %add3A_154, %sub3A : i32
        %dma_wait3A_310 = arith.constant 2 : i32
        %dma_wait3A_311 = arith.constant 0 : i32
        %dma_wait3A_312 = arith.constant 0 : i32
        %dma_wait3A_313 = tpu.memref_slice %arg6[%dma_wait3A_310, %dma_wait3A_311, %dma_wait3A_312] : memref<4x512x32xf32, #tpu.memory_space<vmem>> -> memref<1x512x32xf32, #tpu.memory_space<vmem>>
        %dma_wait3A_314 = tpu.memref_squeeze %dma_wait3A_313 : memref<1x512x32xf32, #tpu.memory_space<vmem>> -> memref<512x32xf32, #tpu.memory_space<vmem>>
        %dma_wait3A_315 = arith.constant 0 : i32
        %dma_wait3A_316 = tpu.memref_slice %arg4[%sub3A_309, %mul3A_2, %dma_wait3A_315] : memref<50x16384x32xf32, #tpu.memory_space<hbm>> -> memref<1x512x32xf32, #tpu.memory_space<hbm>>
        %dma_wait3A_317 = tpu.memref_squeeze %dma_wait3A_316 : memref<1x512x32xf32, #tpu.memory_space<hbm>> -> memref<512x32xf32, #tpu.memory_space<hbm>>
        %dma_wait3A_318 = arith.constant 0 : i32
        %dma_wait3A_319 = tpu.memref_slice %arg4[%sub3A_309, %mul3A_2, %dma_wait3A_318] : memref<50x16384x32xf32, #tpu.memory_space<hbm>> -> memref<1x512x32xf32, #tpu.memory_space<hbm>>
        %dma_wait3A_320 = tpu.memref_squeeze %dma_wait3A_319 : memref<1x512x32xf32, #tpu.memory_space<hbm>> -> memref<512x32xf32, #tpu.memory_space<hbm>>
        %dma_wait3A_321 = arith.constant 0 : i32
        %dma_wait3A_322 = arith.constant 0 : i32
        %dma_wait3A_323 = tpu.memref_slice %arg6[%dma_wait3A_310, %dma_wait3A_321, %dma_wait3A_322] : memref<4x512x32xf32, #tpu.memory_space<vmem>> -> memref<1x512x32xf32, #tpu.memory_space<vmem>>
        %dma_wait3A_324 = tpu.memref_squeeze %dma_wait3A_323 : memref<1x512x32xf32, #tpu.memory_space<vmem>> -> memref<512x32xf32, #tpu.memory_space<vmem>>
        tpu.wait_dma2 semaphore(%arg9 : memref<!tpu.dma_semaphore, #tpu.memory_space<semaphore_mem>>) src(%dma_wait3A_324 : memref<512x32xf32, #tpu.memory_space<vmem>>) dst(%dma_wait3A_320 : memref<512x32xf32, #tpu.memory_space<hbm>>)
      } else {
      }
      %add3A_183 = arith.constant 2 : i32
      %add3A_184 = arith.addi %add3A_154, %add3A_183 : i32
      %lt3A = arith.constant 50 : i32
      %lt3A_185 = arith.cmpi slt, %add3A_184, %lt3A : i32
      %convert_element_type3A_186 = arith.extui %lt3A_185 : i1 to i32
      %cond3A_187 = arith.constant 0 : i32
      %cond3A_188 = arith.cmpi ne, %convert_element_type3A_186, %cond3A_187 : i32
      scf.if %cond3A_188 {
        %add3A_309 = arith.constant 2 : i32
        %add3A_310 = arith.addi %add3A_154, %add3A_309 : i32
        %dma_start3A_311 = arith.constant 2 : i32
        %dma_start3A_312 = arith.constant 0 : i32
        %dma_start3A_313 = arith.constant 0 : i32
        %dma_start3A_314 = tpu.memref_slice %arg6[%dma_start3A_311, %dma_start3A_312, %dma_start3A_313] : memref<4x512x32xf32, #tpu.memory_space<vmem>> -> memref<1x512x32xf32, #tpu.memory_space<vmem>>
        %dma_start3A_315 = tpu.memref_squeeze %dma_start3A_314 : memref<1x512x32xf32, #tpu.memory_space<vmem>> -> memref<512x32xf32, #tpu.memory_space<vmem>>
        %dma_start3A_316 = arith.constant 0 : i32
        %dma_start3A_317 = tpu.memref_slice %arg5[%add3A_310, %dma_start3A_316] : memref<50x512xi32, #tpu.memory_space<vmem>> -> memref<1x512xi32, #tpu.memory_space<vmem>>
        %dma_start3A_318 = tpu.memref_squeeze %dma_start3A_317 : memref<1x512xi32, #tpu.memory_space<vmem>> -> memref<512xi32, #tpu.memory_space<vmem>>
        %dma_start3A_319 = arith.constant 0 : i32
        %dma_start3A_320 = arith.constant 0 : i32
        %dma_start3A_321 = tpu.memref_slice %arg2[%dma_start3A_319, %dma_start3A_320] : memref<1000000x32xf32, #tpu.memory_space<hbm>> -> memref<1000000x32xf32, #tpu.memory_space<hbm>>
        tpu.enqueue_indirect_dma source(%dma_start3A_321 : memref<1000000x32xf32, #tpu.memory_space<hbm>>) target(%dma_start3A_315 : memref<512x32xf32, #tpu.memory_space<vmem>>) offsets(%dma_start3A_318 : memref<512xi32, #tpu.memory_space<vmem>>) semaphore(%arg7 : memref<!tpu.dma_semaphore, #tpu.memory_space<semaphore_mem>>)
      } else {
      }
      %add3A_189 = arith.constant 1 : i32
      %add3A_190 = arith.addi %mul3A_152, %add3A_189 : i32
      %dma_wait3A_191 = arith.constant 1 : i32
      %dma_wait3A_192 = arith.constant 0 : i32
      %dma_wait3A_193 = arith.constant 0 : i32
      %dma_wait3A_194 = tpu.memref_slice %arg6[%dma_wait3A_191, %dma_wait3A_192, %dma_wait3A_193] : memref<4x512x32xf32, #tpu.memory_space<vmem>> -> memref<1x512x32xf32, #tpu.memory_space<vmem>>
      %dma_wait3A_195 = tpu.memref_squeeze %dma_wait3A_194 : memref<1x512x32xf32, #tpu.memory_space<vmem>> -> memref<512x32xf32, #tpu.memory_space<vmem>>
      %dma_wait3A_196 = arith.constant 0 : i32
      %dma_wait3A_197 = tpu.memref_slice %arg5[%add3A_190, %dma_wait3A_196] : memref<50x512xi32, #tpu.memory_space<vmem>> -> memref<1x512xi32, #tpu.memory_space<vmem>>
      %dma_wait3A_198 = tpu.memref_squeeze %dma_wait3A_197 : memref<1x512xi32, #tpu.memory_space<vmem>> -> memref<512xi32, #tpu.memory_space<vmem>>
      %dma_wait3A_199 = arith.constant 0 : i32
      %dma_wait3A_200 = arith.constant 0 : i32
      %dma_wait3A_201 = tpu.memref_slice %arg2[%dma_wait3A_199, %dma_wait3A_200] : memref<1000000x32xf32, #tpu.memory_space<hbm>> -> memref<1000000x32xf32, #tpu.memory_space<hbm>>
      tpu.wait_indirect_dma semaphore(%arg8 : memref<!tpu.dma_semaphore, #tpu.memory_space<semaphore_mem>>) src(%dma_wait3A_201 : memref<1000000x32xf32, #tpu.memory_space<hbm>>) dst(%dma_wait3A_195 : memref<512x32xf32, #tpu.memory_space<vmem>>)
      %dma_start3A_202 = arith.constant 1 : i32
      %dma_start3A_203 = arith.constant 0 : i32
      %dma_start3A_204 = arith.constant 0 : i32
      %dma_start3A_205 = tpu.memref_slice %arg6[%dma_start3A_202, %dma_start3A_203, %dma_start3A_204] : memref<4x512x32xf32, #tpu.memory_space<vmem>> -> memref<1x512x32xf32, #tpu.memory_space<vmem>>
      %dma_start3A_206 = tpu.memref_squeeze %dma_start3A_205 : memref<1x512x32xf32, #tpu.memory_space<vmem>> -> memref<512x32xf32, #tpu.memory_space<vmem>>
      %dma_start3A_207 = arith.constant 0 : i32
      %dma_start3A_208 = tpu.memref_slice %arg4[%add3A_190, %mul3A_2, %dma_start3A_207] : memref<50x16384x32xf32, #tpu.memory_space<hbm>> -> memref<1x512x32xf32, #tpu.memory_space<hbm>>
      %dma_start3A_209 = tpu.memref_squeeze %dma_start3A_208 : memref<1x512x32xf32, #tpu.memory_space<hbm>> -> memref<512x32xf32, #tpu.memory_space<hbm>>
      %dma_start3A_210 = arith.constant 0 : i32
      %dma_start3A_211 = tpu.memref_slice %arg4[%add3A_190, %mul3A_2, %dma_start3A_210] : memref<50x16384x32xf32, #tpu.memory_space<hbm>> -> memref<1x512x32xf32, #tpu.memory_space<hbm>>
      %dma_start3A_212 = tpu.memref_squeeze %dma_start3A_211 : memref<1x512x32xf32, #tpu.memory_space<hbm>> -> memref<512x32xf32, #tpu.memory_space<hbm>>
      %dma_start3A_213 = arith.constant 0 : i32
      %dma_start3A_214 = arith.constant 0 : i32
      %dma_start3A_215 = tpu.memref_slice %arg6[%dma_start3A_202, %dma_start3A_213, %dma_start3A_214] : memref<4x512x32xf32, #tpu.memory_space<vmem>> -> memref<1x512x32xf32, #tpu.memory_space<vmem>>
      %dma_start3A_216 = tpu.memref_squeeze %dma_start3A_215 : memref<1x512x32xf32, #tpu.memory_space<vmem>> -> memref<512x32xf32, #tpu.memory_space<vmem>>
      tpu.enqueue_dma source(%dma_start3A_216 : memref<512x32xf32, #tpu.memory_space<vmem>>) target(%dma_start3A_212 : memref<512x32xf32, #tpu.memory_space<hbm>>) target_semaphore(%arg10 : memref<!tpu.dma_semaphore, #tpu.memory_space<semaphore_mem>>)
      %ge3A_217 = arith.constant 2 : i32
      %ge3A_218 = arith.cmpi sge, %add3A_190, %ge3A_217 : i32
      %convert_element_type3A_219 = arith.extui %ge3A_218 : i1 to i32
      %cond3A_220 = arith.constant 0 : i32
      %cond3A_221 = arith.cmpi ne, %convert_element_type3A_219, %cond3A_220 : i32
      scf.if %cond3A_221 {
        %sub3A = arith.constant 2 : i32
        %sub3A_309 = arith.subi %add3A_190, %sub3A : i32
        %dma_wait3A_310 = arith.constant 3 : i32
        %dma_wait3A_311 = arith.constant 0 : i32
        %dma_wait3A_312 = arith.constant 0 : i32
        %dma_wait3A_313 = tpu.memref_slice %arg6[%dma_wait3A_310, %dma_wait3A_311, %dma_wait3A_312] : memref<4x512x32xf32, #tpu.memory_space<vmem>> -> memref<1x512x32xf32, #tpu.memory_space<vmem>>
        %dma_wait3A_314 = tpu.memref_squeeze %dma_wait3A_313 : memref<1x512x32xf32, #tpu.memory_space<vmem>> -> memref<512x32xf32, #tpu.memory_space<vmem>>
        %dma_wait3A_315 = arith.constant 0 : i32
        %dma_wait3A_316 = tpu.memref_slice %arg4[%sub3A_309, %mul3A_2, %dma_wait3A_315] : memref<50x16384x32xf32, #tpu.memory_space<hbm>> -> memref<1x512x32xf32, #tpu.memory_space<hbm>>
        %dma_wait3A_317 = tpu.memref_squeeze %dma_wait3A_316 : memref<1x512x32xf32, #tpu.memory_space<hbm>> -> memref<512x32xf32, #tpu.memory_space<hbm>>
        %dma_wait3A_318 = arith.constant 0 : i32
        %dma_wait3A_319 = tpu.memref_slice %arg4[%sub3A_309, %mul3A_2, %dma_wait3A_318] : memref<50x16384x32xf32, #tpu.memory_space<hbm>> -> memref<1x512x32xf32, #tpu.memory_space<hbm>>
        %dma_wait3A_320 = tpu.memref_squeeze %dma_wait3A_319 : memref<1x512x32xf32, #tpu.memory_space<hbm>> -> memref<512x32xf32, #tpu.memory_space<hbm>>
        %dma_wait3A_321 = arith.constant 0 : i32
        %dma_wait3A_322 = arith.constant 0 : i32
        %dma_wait3A_323 = tpu.memref_slice %arg6[%dma_wait3A_310, %dma_wait3A_321, %dma_wait3A_322] : memref<4x512x32xf32, #tpu.memory_space<vmem>> -> memref<1x512x32xf32, #tpu.memory_space<vmem>>
        %dma_wait3A_324 = tpu.memref_squeeze %dma_wait3A_323 : memref<1x512x32xf32, #tpu.memory_space<vmem>> -> memref<512x32xf32, #tpu.memory_space<vmem>>
        tpu.wait_dma2 semaphore(%arg10 : memref<!tpu.dma_semaphore, #tpu.memory_space<semaphore_mem>>) src(%dma_wait3A_324 : memref<512x32xf32, #tpu.memory_space<vmem>>) dst(%dma_wait3A_320 : memref<512x32xf32, #tpu.memory_space<hbm>>)
      } else {
      }
      %add3A_222 = arith.constant 2 : i32
      %add3A_223 = arith.addi %add3A_190, %add3A_222 : i32
      %lt3A_224 = arith.constant 50 : i32
      %lt3A_225 = arith.cmpi slt, %add3A_223, %lt3A_224 : i32
      %convert_element_type3A_226 = arith.extui %lt3A_225 : i1 to i32
      %cond3A_227 = arith.constant 0 : i32
      %cond3A_228 = arith.cmpi ne, %convert_element_type3A_226, %cond3A_227 : i32
      scf.if %cond3A_228 {
        %add3A_309 = arith.constant 2 : i32
        %add3A_310 = arith.addi %add3A_190, %add3A_309 : i32
        %dma_start3A_311 = arith.constant 3 : i32
        %dma_start3A_312 = arith.constant 0 : i32
        %dma_start3A_313 = arith.constant 0 : i32
        %dma_start3A_314 = tpu.memref_slice %arg6[%dma_start3A_311, %dma_start3A_312, %dma_start3A_313] : memref<4x512x32xf32, #tpu.memory_space<vmem>> -> memref<1x512x32xf32, #tpu.memory_space<vmem>>
        %dma_start3A_315 = tpu.memref_squeeze %dma_start3A_314 : memref<1x512x32xf32, #tpu.memory_space<vmem>> -> memref<512x32xf32, #tpu.memory_space<vmem>>
        %dma_start3A_316 = arith.constant 0 : i32
        %dma_start3A_317 = tpu.memref_slice %arg5[%add3A_310, %dma_start3A_316] : memref<50x512xi32, #tpu.memory_space<vmem>> -> memref<1x512xi32, #tpu.memory_space<vmem>>
        %dma_start3A_318 = tpu.memref_squeeze %dma_start3A_317 : memref<1x512xi32, #tpu.memory_space<vmem>> -> memref<512xi32, #tpu.memory_space<vmem>>
        %dma_start3A_319 = arith.constant 0 : i32
        %dma_start3A_320 = arith.constant 0 : i32
        %dma_start3A_321 = tpu.memref_slice %arg2[%dma_start3A_319, %dma_start3A_320] : memref<1000000x32xf32, #tpu.memory_space<hbm>> -> memref<1000000x32xf32, #tpu.memory_space<hbm>>
        tpu.enqueue_indirect_dma source(%dma_start3A_321 : memref<1000000x32xf32, #tpu.memory_space<hbm>>) target(%dma_start3A_315 : memref<512x32xf32, #tpu.memory_space<vmem>>) offsets(%dma_start3A_318 : memref<512xi32, #tpu.memory_space<vmem>>) semaphore(%arg8 : memref<!tpu.dma_semaphore, #tpu.memory_space<semaphore_mem>>)
      } else {
      }
      %add3A_229 = arith.constant 2 : i32
      %add3A_230 = arith.addi %mul3A_152, %add3A_229 : i32
      %dma_wait3A_231 = arith.constant 2 : i32
      %dma_wait3A_232 = arith.constant 0 : i32
      %dma_wait3A_233 = arith.constant 0 : i32
      %dma_wait3A_234 = tpu.memref_slice %arg6[%dma_wait3A_231, %dma_wait3A_232, %dma_wait3A_233] : memref<4x512x32xf32, #tpu.memory_space<vmem>> -> memref<1x512x32xf32, #tpu.memory_space<vmem>>
      %dma_wait3A_235 = tpu.memref_squeeze %dma_wait3A_234 : memref<1x512x32xf32, #tpu.memory_space<vmem>> -> memref<512x32xf32, #tpu.memory_space<vmem>>
      %dma_wait3A_236 = arith.constant 0 : i32
      %dma_wait3A_237 = tpu.memref_slice %arg5[%add3A_230, %dma_wait3A_236] : memref<50x512xi32, #tpu.memory_space<vmem>> -> memref<1x512xi32, #tpu.memory_space<vmem>>
      %dma_wait3A_238 = tpu.memref_squeeze %dma_wait3A_237 : memref<1x512xi32, #tpu.memory_space<vmem>> -> memref<512xi32, #tpu.memory_space<vmem>>
      %dma_wait3A_239 = arith.constant 0 : i32
      %dma_wait3A_240 = arith.constant 0 : i32
      %dma_wait3A_241 = tpu.memref_slice %arg2[%dma_wait3A_239, %dma_wait3A_240] : memref<1000000x32xf32, #tpu.memory_space<hbm>> -> memref<1000000x32xf32, #tpu.memory_space<hbm>>
      tpu.wait_indirect_dma semaphore(%arg7 : memref<!tpu.dma_semaphore, #tpu.memory_space<semaphore_mem>>) src(%dma_wait3A_241 : memref<1000000x32xf32, #tpu.memory_space<hbm>>) dst(%dma_wait3A_235 : memref<512x32xf32, #tpu.memory_space<vmem>>)
      %dma_start3A_242 = arith.constant 2 : i32
      %dma_start3A_243 = arith.constant 0 : i32
      %dma_start3A_244 = arith.constant 0 : i32
      %dma_start3A_245 = tpu.memref_slice %arg6[%dma_start3A_242, %dma_start3A_243, %dma_start3A_244] : memref<4x512x32xf32, #tpu.memory_space<vmem>> -> memref<1x512x32xf32, #tpu.memory_space<vmem>>
      %dma_start3A_246 = tpu.memref_squeeze %dma_start3A_245 : memref<1x512x32xf32, #tpu.memory_space<vmem>> -> memref<512x32xf32, #tpu.memory_space<vmem>>
      %dma_start3A_247 = arith.constant 0 : i32
      %dma_start3A_248 = tpu.memref_slice %arg4[%add3A_230, %mul3A_2, %dma_start3A_247] : memref<50x16384x32xf32, #tpu.memory_space<hbm>> -> memref<1x512x32xf32, #tpu.memory_space<hbm>>
      %dma_start3A_249 = tpu.memref_squeeze %dma_start3A_248 : memref<1x512x32xf32, #tpu.memory_space<hbm>> -> memref<512x32xf32, #tpu.memory_space<hbm>>
      %dma_start3A_250 = arith.constant 0 : i32
      %dma_start3A_251 = tpu.memref_slice %arg4[%add3A_230, %mul3A_2, %dma_start3A_250] : memref<50x16384x32xf32, #tpu.memory_space<hbm>> -> memref<1x512x32xf32, #tpu.memory_space<hbm>>
      %dma_start3A_252 = tpu.memref_squeeze %dma_start3A_251 : memref<1x512x32xf32, #tpu.memory_space<hbm>> -> memref<512x32xf32, #tpu.memory_space<hbm>>
      %dma_start3A_253 = arith.constant 0 : i32
      %dma_start3A_254 = arith.constant 0 : i32
      %dma_start3A_255 = tpu.memref_slice %arg6[%dma_start3A_242, %dma_start3A_253, %dma_start3A_254] : memref<4x512x32xf32, #tpu.memory_space<vmem>> -> memref<1x512x32xf32, #tpu.memory_space<vmem>>
      %dma_start3A_256 = tpu.memref_squeeze %dma_start3A_255 : memref<1x512x32xf32, #tpu.memory_space<vmem>> -> memref<512x32xf32, #tpu.memory_space<vmem>>
      tpu.enqueue_dma source(%dma_start3A_256 : memref<512x32xf32, #tpu.memory_space<vmem>>) target(%dma_start3A_252 : memref<512x32xf32, #tpu.memory_space<hbm>>) target_semaphore(%arg9 : memref<!tpu.dma_semaphore, #tpu.memory_space<semaphore_mem>>)
      %ge3A_257 = arith.constant 2 : i32
      %ge3A_258 = arith.cmpi sge, %add3A_230, %ge3A_257 : i32
      %convert_element_type3A_259 = arith.extui %ge3A_258 : i1 to i32
      %cond3A_260 = arith.constant 0 : i32
      %cond3A_261 = arith.cmpi ne, %convert_element_type3A_259, %cond3A_260 : i32
      scf.if %cond3A_261 {
        %sub3A = arith.constant 2 : i32
        %sub3A_309 = arith.subi %add3A_230, %sub3A : i32
        %dma_wait3A_310 = arith.constant 0 : i32
        %dma_wait3A_311 = arith.constant 0 : i32
        %dma_wait3A_312 = arith.constant 0 : i32
        %dma_wait3A_313 = tpu.memref_slice %arg6[%dma_wait3A_310, %dma_wait3A_311, %dma_wait3A_312] : memref<4x512x32xf32, #tpu.memory_space<vmem>> -> memref<1x512x32xf32, #tpu.memory_space<vmem>>
        %dma_wait3A_314 = tpu.memref_squeeze %dma_wait3A_313 : memref<1x512x32xf32, #tpu.memory_space<vmem>> -> memref<512x32xf32, #tpu.memory_space<vmem>>
        %dma_wait3A_315 = arith.constant 0 : i32
        %dma_wait3A_316 = tpu.memref_slice %arg4[%sub3A_309, %mul3A_2, %dma_wait3A_315] : memref<50x16384x32xf32, #tpu.memory_space<hbm>> -> memref<1x512x32xf32, #tpu.memory_space<hbm>>
        %dma_wait3A_317 = tpu.memref_squeeze %dma_wait3A_316 : memref<1x512x32xf32, #tpu.memory_space<hbm>> -> memref<512x32xf32, #tpu.memory_space<hbm>>
        %dma_wait3A_318 = arith.constant 0 : i32
        %dma_wait3A_319 = tpu.memref_slice %arg4[%sub3A_309, %mul3A_2, %dma_wait3A_318] : memref<50x16384x32xf32, #tpu.memory_space<hbm>> -> memref<1x512x32xf32, #tpu.memory_space<hbm>>
        %dma_wait3A_320 = tpu.memref_squeeze %dma_wait3A_319 : memref<1x512x32xf32, #tpu.memory_space<hbm>> -> memref<512x32xf32, #tpu.memory_space<hbm>>
        %dma_wait3A_321 = arith.constant 0 : i32
        %dma_wait3A_322 = arith.constant 0 : i32
        %dma_wait3A_323 = tpu.memref_slice %arg6[%dma_wait3A_310, %dma_wait3A_321, %dma_wait3A_322] : memref<4x512x32xf32, #tpu.memory_space<vmem>> -> memref<1x512x32xf32, #tpu.memory_space<vmem>>
        %dma_wait3A_324 = tpu.memref_squeeze %dma_wait3A_323 : memref<1x512x32xf32, #tpu.memory_space<vmem>> -> memref<512x32xf32, #tpu.memory_space<vmem>>
        tpu.wait_dma2 semaphore(%arg9 : memref<!tpu.dma_semaphore, #tpu.memory_space<semaphore_mem>>) src(%dma_wait3A_324 : memref<512x32xf32, #tpu.memory_space<vmem>>) dst(%dma_wait3A_320 : memref<512x32xf32, #tpu.memory_space<hbm>>)
      } else {
      }
      %add3A_262 = arith.constant 2 : i32
      %add3A_263 = arith.addi %add3A_230, %add3A_262 : i32
      %lt3A_264 = arith.constant 50 : i32
      %lt3A_265 = arith.cmpi slt, %add3A_263, %lt3A_264 : i32
      %convert_element_type3A_266 = arith.extui %lt3A_265 : i1 to i32
      %cond3A_267 = arith.constant 0 : i32
      %cond3A_268 = arith.cmpi ne, %convert_element_type3A_266, %cond3A_267 : i32
      scf.if %cond3A_268 {
        %add3A_309 = arith.constant 2 : i32
        %add3A_310 = arith.addi %add3A_230, %add3A_309 : i32
        %dma_start3A_311 = arith.constant 0 : i32
        %dma_start3A_312 = arith.constant 0 : i32
        %dma_start3A_313 = arith.constant 0 : i32
        %dma_start3A_314 = tpu.memref_slice %arg6[%dma_start3A_311, %dma_start3A_312, %dma_start3A_313] : memref<4x512x32xf32, #tpu.memory_space<vmem>> -> memref<1x512x32xf32, #tpu.memory_space<vmem>>
        %dma_start3A_315 = tpu.memref_squeeze %dma_start3A_314 : memref<1x512x32xf32, #tpu.memory_space<vmem>> -> memref<512x32xf32, #tpu.memory_space<vmem>>
        %dma_start3A_316 = arith.constant 0 : i32
        %dma_start3A_317 = tpu.memref_slice %arg5[%add3A_310, %dma_start3A_316] : memref<50x512xi32, #tpu.memory_space<vmem>> -> memref<1x512xi32, #tpu.memory_space<vmem>>
        %dma_start3A_318 = tpu.memref_squeeze %dma_start3A_317 : memref<1x512xi32, #tpu.memory_space<vmem>> -> memref<512xi32, #tpu.memory_space<vmem>>
        %dma_start3A_319 = arith.constant 0 : i32
        %dma_start3A_320 = arith.constant 0 : i32
        %dma_start3A_321 = tpu.memref_slice %arg2[%dma_start3A_319, %dma_start3A_320] : memref<1000000x32xf32, #tpu.memory_space<hbm>> -> memref<1000000x32xf32, #tpu.memory_space<hbm>>
        tpu.enqueue_indirect_dma source(%dma_start3A_321 : memref<1000000x32xf32, #tpu.memory_space<hbm>>) target(%dma_start3A_315 : memref<512x32xf32, #tpu.memory_space<vmem>>) offsets(%dma_start3A_318 : memref<512xi32, #tpu.memory_space<vmem>>) semaphore(%arg7 : memref<!tpu.dma_semaphore, #tpu.memory_space<semaphore_mem>>)
      } else {
      }
      %add3A_269 = arith.constant 3 : i32
      %add3A_270 = arith.addi %mul3A_152, %add3A_269 : i32
      %dma_wait3A_271 = arith.constant 3 : i32
      %dma_wait3A_272 = arith.constant 0 : i32
      %dma_wait3A_273 = arith.constant 0 : i32
      %dma_wait3A_274 = tpu.memref_slice %arg6[%dma_wait3A_271, %dma_wait3A_272, %dma_wait3A_273] : memref<4x512x32xf32, #tpu.memory_space<vmem>> -> memref<1x512x32xf32, #tpu.memory_space<vmem>>
      %dma_wait3A_275 = tpu.memref_squeeze %dma_wait3A_274 : memref<1x512x32xf32, #tpu.memory_space<vmem>> -> memref<512x32xf32, #tpu.memory_space<vmem>>
      %dma_wait3A_276 = arith.constant 0 : i32
      %dma_wait3A_277 = tpu.memref_slice %arg5[%add3A_270, %dma_wait3A_276] : memref<50x512xi32, #tpu.memory_space<vmem>> -> memref<1x512xi32, #tpu.memory_space<vmem>>
      %dma_wait3A_278 = tpu.memref_squeeze %dma_wait3A_277 : memref<1x512xi32, #tpu.memory_space<vmem>> -> memref<512xi32, #tpu.memory_space<vmem>>
      %dma_wait3A_279 = arith.constant 0 : i32
      %dma_wait3A_280 = arith.constant 0 : i32
      %dma_wait3A_281 = tpu.memref_slice %arg2[%dma_wait3A_279, %dma_wait3A_280] : memref<1000000x32xf32, #tpu.memory_space<hbm>> -> memref<1000000x32xf32, #tpu.memory_space<hbm>>
      tpu.wait_indirect_dma semaphore(%arg8 : memref<!tpu.dma_semaphore, #tpu.memory_space<semaphore_mem>>) src(%dma_wait3A_281 : memref<1000000x32xf32, #tpu.memory_space<hbm>>) dst(%dma_wait3A_275 : memref<512x32xf32, #tpu.memory_space<vmem>>)
      %dma_start3A_282 = arith.constant 3 : i32
      %dma_start3A_283 = arith.constant 0 : i32
      %dma_start3A_284 = arith.constant 0 : i32
      %dma_start3A_285 = tpu.memref_slice %arg6[%dma_start3A_282, %dma_start3A_283, %dma_start3A_284] : memref<4x512x32xf32, #tpu.memory_space<vmem>> -> memref<1x512x32xf32, #tpu.memory_space<vmem>>
      %dma_start3A_286 = tpu.memref_squeeze %dma_start3A_285 : memref<1x512x32xf32, #tpu.memory_space<vmem>> -> memref<512x32xf32, #tpu.memory_space<vmem>>
      %dma_start3A_287 = arith.constant 0 : i32
      %dma_start3A_288 = tpu.memref_slice %arg4[%add3A_270, %mul3A_2, %dma_start3A_287] : memref<50x16384x32xf32, #tpu.memory_space<hbm>> -> memref<1x512x32xf32, #tpu.memory_space<hbm>>
      %dma_start3A_289 = tpu.memref_squeeze %dma_start3A_288 : memref<1x512x32xf32, #tpu.memory_space<hbm>> -> memref<512x32xf32, #tpu.memory_space<hbm>>
      %dma_start3A_290 = arith.constant 0 : i32
      %dma_start3A_291 = tpu.memref_slice %arg4[%add3A_270, %mul3A_2, %dma_start3A_290] : memref<50x16384x32xf32, #tpu.memory_space<hbm>> -> memref<1x512x32xf32, #tpu.memory_space<hbm>>
      %dma_start3A_292 = tpu.memref_squeeze %dma_start3A_291 : memref<1x512x32xf32, #tpu.memory_space<hbm>> -> memref<512x32xf32, #tpu.memory_space<hbm>>
      %dma_start3A_293 = arith.constant 0 : i32
      %dma_start3A_294 = arith.constant 0 : i32
      %dma_start3A_295 = tpu.memref_slice %arg6[%dma_start3A_282, %dma_start3A_293, %dma_start3A_294] : memref<4x512x32xf32, #tpu.memory_space<vmem>> -> memref<1x512x32xf32, #tpu.memory_space<vmem>>
      %dma_start3A_296 = tpu.memref_squeeze %dma_start3A_295 : memref<1x512x32xf32, #tpu.memory_space<vmem>> -> memref<512x32xf32, #tpu.memory_space<vmem>>
      tpu.enqueue_dma source(%dma_start3A_296 : memref<512x32xf32, #tpu.memory_space<vmem>>) target(%dma_start3A_292 : memref<512x32xf32, #tpu.memory_space<hbm>>) target_semaphore(%arg10 : memref<!tpu.dma_semaphore, #tpu.memory_space<semaphore_mem>>)
      %ge3A_297 = arith.constant 2 : i32
      %ge3A_298 = arith.cmpi sge, %add3A_270, %ge3A_297 : i32
      %convert_element_type3A_299 = arith.extui %ge3A_298 : i1 to i32
      %cond3A_300 = arith.constant 0 : i32
      %cond3A_301 = arith.cmpi ne, %convert_element_type3A_299, %cond3A_300 : i32
      scf.if %cond3A_301 {
        %sub3A = arith.constant 2 : i32
        %sub3A_309 = arith.subi %add3A_270, %sub3A : i32
        %dma_wait3A_310 = arith.constant 1 : i32
        %dma_wait3A_311 = arith.constant 0 : i32
        %dma_wait3A_312 = arith.constant 0 : i32
        %dma_wait3A_313 = tpu.memref_slice %arg6[%dma_wait3A_310, %dma_wait3A_311, %dma_wait3A_312] : memref<4x512x32xf32, #tpu.memory_space<vmem>> -> memref<1x512x32xf32, #tpu.memory_space<vmem>>
        %dma_wait3A_314 = tpu.memref_squeeze %dma_wait3A_313 : memref<1x512x32xf32, #tpu.memory_space<vmem>> -> memref<512x32xf32, #tpu.memory_space<vmem>>
        %dma_wait3A_315 = arith.constant 0 : i32
        %dma_wait3A_316 = tpu.memref_slice %arg4[%sub3A_309, %mul3A_2, %dma_wait3A_315] : memref<50x16384x32xf32, #tpu.memory_space<hbm>> -> memref<1x512x32xf32, #tpu.memory_space<hbm>>
        %dma_wait3A_317 = tpu.memref_squeeze %dma_wait3A_316 : memref<1x512x32xf32, #tpu.memory_space<hbm>> -> memref<512x32xf32, #tpu.memory_space<hbm>>
        %dma_wait3A_318 = arith.constant 0 : i32
        %dma_wait3A_319 = tpu.memref_slice %arg4[%sub3A_309, %mul3A_2, %dma_wait3A_318] : memref<50x16384x32xf32, #tpu.memory_space<hbm>> -> memref<1x512x32xf32, #tpu.memory_space<hbm>>
        %dma_wait3A_320 = tpu.memref_squeeze %dma_wait3A_319 : memref<1x512x32xf32, #tpu.memory_space<hbm>> -> memref<512x32xf32, #tpu.memory_space<hbm>>
        %dma_wait3A_321 = arith.constant 0 : i32
        %dma_wait3A_322 = arith.constant 0 : i32
        %dma_wait3A_323 = tpu.memref_slice %arg6[%dma_wait3A_310, %dma_wait3A_321, %dma_wait3A_322] : memref<4x512x32xf32, #tpu.memory_space<vmem>> -> memref<1x512x32xf32, #tpu.memory_space<vmem>>
        %dma_wait3A_324 = tpu.memref_squeeze %dma_wait3A_323 : memref<1x512x32xf32, #tpu.memory_space<vmem>> -> memref<512x32xf32, #tpu.memory_space<vmem>>
        tpu.wait_dma2 semaphore(%arg10 : memref<!tpu.dma_semaphore, #tpu.memory_space<semaphore_mem>>) src(%dma_wait3A_324 : memref<512x32xf32, #tpu.memory_space<vmem>>) dst(%dma_wait3A_320 : memref<512x32xf32, #tpu.memory_space<hbm>>)
      } else {
      }
      %add3A_302 = arith.constant 2 : i32
      %add3A_303 = arith.addi %add3A_270, %add3A_302 : i32
      %lt3A_304 = arith.constant 50 : i32
      %lt3A_305 = arith.cmpi slt, %add3A_303, %lt3A_304 : i32
      %convert_element_type3A_306 = arith.extui %lt3A_305 : i1 to i32
      %cond3A_307 = arith.constant 0 : i32
      %cond3A_308 = arith.cmpi ne, %convert_element_type3A_306, %cond3A_307 : i32
      scf.if %cond3A_308 {
        %add3A_309 = arith.constant 2 : i32
        %add3A_310 = arith.addi %add3A_270, %add3A_309 : i32
        %dma_start3A_311 = arith.constant 1 : i32
        %dma_start3A_312 = arith.constant 0 : i32
        %dma_start3A_313 = arith.constant 0 : i32
        %dma_start3A_314 = tpu.memref_slice %arg6[%dma_start3A_311, %dma_start3A_312, %dma_start3A_313] : memref<4x512x32xf32, #tpu.memory_space<vmem>> -> memref<1x512x32xf32, #tpu.memory_space<vmem>>
        %dma_start3A_315 = tpu.memref_squeeze %dma_start3A_314 : memref<1x512x32xf32, #tpu.memory_space<vmem>> -> memref<512x32xf32, #tpu.memory_space<vmem>>
        %dma_start3A_316 = arith.constant 0 : i32
        %dma_start3A_317 = tpu.memref_slice %arg5[%add3A_310, %dma_start3A_316] : memref<50x512xi32, #tpu.memory_space<vmem>> -> memref<1x512xi32, #tpu.memory_space<vmem>>
        %dma_start3A_318 = tpu.memref_squeeze %dma_start3A_317 : memref<1x512xi32, #tpu.memory_space<vmem>> -> memref<512xi32, #tpu.memory_space<vmem>>
        %dma_start3A_319 = arith.constant 0 : i32
        %dma_start3A_320 = arith.constant 0 : i32
        %dma_start3A_321 = tpu.memref_slice %arg2[%dma_start3A_319, %dma_start3A_320] : memref<1000000x32xf32, #tpu.memory_space<hbm>> -> memref<1000000x32xf32, #tpu.memory_space<hbm>>
        tpu.enqueue_indirect_dma source(%dma_start3A_321 : memref<1000000x32xf32, #tpu.memory_space<hbm>>) target(%dma_start3A_315 : memref<512x32xf32, #tpu.memory_space<vmem>>) offsets(%dma_start3A_318 : memref<512xi32, #tpu.memory_space<vmem>>) semaphore(%arg8 : memref<!tpu.dma_semaphore, #tpu.memory_space<semaphore_mem>>)
      } else {
      }
    }
    %scan3A_30 = arith.constant 12 : i32
    %dma_wait3A = arith.constant 48 : i32
    %dma_wait3A_31 = arith.constant 0 : i32
    %dma_wait3A_32 = arith.constant 0 : i32
    %dma_wait3A_33 = arith.constant 0 : i32
    %dma_wait3A_34 = tpu.memref_slice %arg6[%dma_wait3A_31, %dma_wait3A_32, %dma_wait3A_33] : memref<4x512x32xf32, #tpu.memory_space<vmem>> -> memref<1x512x32xf32, #tpu.memory_space<vmem>>
    %dma_wait3A_35 = tpu.memref_squeeze %dma_wait3A_34 : memref<1x512x32xf32, #tpu.memory_space<vmem>> -> memref<512x32xf32, #tpu.memory_space<vmem>>
    %dma_wait3A_36 = arith.constant 0 : i32
    %dma_wait3A_37 = tpu.memref_slice %arg5[%dma_wait3A, %dma_wait3A_36] : memref<50x512xi32, #tpu.memory_space<vmem>> -> memref<1x512xi32, #tpu.memory_space<vmem>>
    %dma_wait3A_38 = tpu.memref_squeeze %dma_wait3A_37 : memref<1x512xi32, #tpu.memory_space<vmem>> -> memref<512xi32, #tpu.memory_space<vmem>>
    %dma_wait3A_39 = arith.constant 0 : i32
    %dma_wait3A_40 = arith.constant 0 : i32
    %dma_wait3A_41 = tpu.memref_slice %arg2[%dma_wait3A_39, %dma_wait3A_40] : memref<1000000x32xf32, #tpu.memory_space<hbm>> -> memref<1000000x32xf32, #tpu.memory_space<hbm>>
    tpu.wait_indirect_dma semaphore(%arg7 : memref<!tpu.dma_semaphore, #tpu.memory_space<semaphore_mem>>) src(%dma_wait3A_41 : memref<1000000x32xf32, #tpu.memory_space<hbm>>) dst(%dma_wait3A_35 : memref<512x32xf32, #tpu.memory_space<vmem>>)
    %dma_start3A_42 = arith.constant 0 : i32
    %dma_start3A_43 = arith.constant 48 : i32
    %dma_start3A_44 = arith.constant 0 : i32
    %dma_start3A_45 = arith.constant 0 : i32
    %dma_start3A_46 = tpu.memref_slice %arg6[%dma_start3A_42, %dma_start3A_44, %dma_start3A_45] : memref<4x512x32xf32, #tpu.memory_space<vmem>> -> memref<1x512x32xf32, #tpu.memory_space<vmem>>
    %dma_start3A_47 = tpu.memref_squeeze %dma_start3A_46 : memref<1x512x32xf32, #tpu.memory_space<vmem>> -> memref<512x32xf32, #tpu.memory_space<vmem>>
    %dma_start3A_48 = arith.constant 0 : i32
    %dma_start3A_49 = tpu.memref_slice %arg4[%dma_start3A_43, %mul3A_2, %dma_start3A_48] : memref<50x16384x32xf32, #tpu.memory_space<hbm>> -> memref<1x512x32xf32, #tpu.memory_space<hbm>>
    %dma_start3A_50 = tpu.memref_squeeze %dma_start3A_49 : memref<1x512x32xf32, #tpu.memory_space<hbm>> -> memref<512x32xf32, #tpu.memory_space<hbm>>
    %dma_start3A_51 = arith.constant 0 : i32
    %dma_start3A_52 = tpu.memref_slice %arg4[%dma_start3A_43, %mul3A_2, %dma_start3A_51] : memref<50x16384x32xf32, #tpu.memory_space<hbm>> -> memref<1x512x32xf32, #tpu.memory_space<hbm>>
    %dma_start3A_53 = tpu.memref_squeeze %dma_start3A_52 : memref<1x512x32xf32, #tpu.memory_space<hbm>> -> memref<512x32xf32, #tpu.memory_space<hbm>>
    %dma_start3A_54 = arith.constant 0 : i32
    %dma_start3A_55 = arith.constant 0 : i32
    %dma_start3A_56 = tpu.memref_slice %arg6[%dma_start3A_42, %dma_start3A_54, %dma_start3A_55] : memref<4x512x32xf32, #tpu.memory_space<vmem>> -> memref<1x512x32xf32, #tpu.memory_space<vmem>>
    %dma_start3A_57 = tpu.memref_squeeze %dma_start3A_56 : memref<1x512x32xf32, #tpu.memory_space<vmem>> -> memref<512x32xf32, #tpu.memory_space<vmem>>
    tpu.enqueue_dma source(%dma_start3A_57 : memref<512x32xf32, #tpu.memory_space<vmem>>) target(%dma_start3A_53 : memref<512x32xf32, #tpu.memory_space<hbm>>) target_semaphore(%arg9 : memref<!tpu.dma_semaphore, #tpu.memory_space<semaphore_mem>>)
    %dma_wait3A_58 = arith.constant 2 : i32
    %dma_wait3A_59 = arith.constant 46 : i32
    %dma_wait3A_60 = arith.constant 0 : i32
    %dma_wait3A_61 = arith.constant 0 : i32
    %dma_wait3A_62 = tpu.memref_slice %arg6[%dma_wait3A_58, %dma_wait3A_60, %dma_wait3A_61] : memref<4x512x32xf32, #tpu.memory_space<vmem>> -> memref<1x512x32xf32, #tpu.memory_space<vmem>>
    %dma_wait3A_63 = tpu.memref_squeeze %dma_wait3A_62 : memref<1x512x32xf32, #tpu.memory_space<vmem>> -> memref<512x32xf32, #tpu.memory_space<vmem>>
    %dma_wait3A_64 = arith.constant 0 : i32
    %dma_wait3A_65 = tpu.memref_slice %arg4[%dma_wait3A_59, %mul3A_2, %dma_wait3A_64] : memref<50x16384x32xf32, #tpu.memory_space<hbm>> -> memref<1x512x32xf32, #tpu.memory_space<hbm>>
    %dma_wait3A_66 = tpu.memref_squeeze %dma_wait3A_65 : memref<1x512x32xf32, #tpu.memory_space<hbm>> -> memref<512x32xf32, #tpu.memory_space<hbm>>
    %dma_wait3A_67 = arith.constant 0 : i32
    %dma_wait3A_68 = tpu.memref_slice %arg4[%dma_wait3A_59, %mul3A_2, %dma_wait3A_67] : memref<50x16384x32xf32, #tpu.memory_space<hbm>> -> memref<1x512x32xf32, #tpu.memory_space<hbm>>
    %dma_wait3A_69 = tpu.memref_squeeze %dma_wait3A_68 : memref<1x512x32xf32, #tpu.memory_space<hbm>> -> memref<512x32xf32, #tpu.memory_space<hbm>>
    %dma_wait3A_70 = arith.constant 0 : i32
    %dma_wait3A_71 = arith.constant 0 : i32
    %dma_wait3A_72 = tpu.memref_slice %arg6[%dma_wait3A_58, %dma_wait3A_70, %dma_wait3A_71] : memref<4x512x32xf32, #tpu.memory_space<vmem>> -> memref<1x512x32xf32, #tpu.memory_space<vmem>>
    %dma_wait3A_73 = tpu.memref_squeeze %dma_wait3A_72 : memref<1x512x32xf32, #tpu.memory_space<vmem>> -> memref<512x32xf32, #tpu.memory_space<vmem>>
    tpu.wait_dma2 semaphore(%arg9 : memref<!tpu.dma_semaphore, #tpu.memory_space<semaphore_mem>>) src(%dma_wait3A_73 : memref<512x32xf32, #tpu.memory_space<vmem>>) dst(%dma_wait3A_69 : memref<512x32xf32, #tpu.memory_space<hbm>>)
    %dma_wait3A_74 = arith.constant 49 : i32
    %dma_wait3A_75 = arith.constant 1 : i32
    %dma_wait3A_76 = arith.constant 0 : i32
    %dma_wait3A_77 = arith.constant 0 : i32
    %dma_wait3A_78 = tpu.memref_slice %arg6[%dma_wait3A_75, %dma_wait3A_76, %dma_wait3A_77] : memref<4x512x32xf32, #tpu.memory_space<vmem>> -> memref<1x512x32xf32, #tpu.memory_space<vmem>>
    %dma_wait3A_79 = tpu.memref_squeeze %dma_wait3A_78 : memref<1x512x32xf32, #tpu.memory_space<vmem>> -> memref<512x32xf32, #tpu.memory_space<vmem>>
    %dma_wait3A_80 = arith.constant 0 : i32
    %dma_wait3A_81 = tpu.memref_slice %arg5[%dma_wait3A_74, %dma_wait3A_80] : memref<50x512xi32, #tpu.memory_space<vmem>> -> memref<1x512xi32, #tpu.memory_space<vmem>>
    %dma_wait3A_82 = tpu.memref_squeeze %dma_wait3A_81 : memref<1x512xi32, #tpu.memory_space<vmem>> -> memref<512xi32, #tpu.memory_space<vmem>>
    %dma_wait3A_83 = arith.constant 0 : i32
    %dma_wait3A_84 = arith.constant 0 : i32
    %dma_wait3A_85 = tpu.memref_slice %arg2[%dma_wait3A_83, %dma_wait3A_84] : memref<1000000x32xf32, #tpu.memory_space<hbm>> -> memref<1000000x32xf32, #tpu.memory_space<hbm>>
    tpu.wait_indirect_dma semaphore(%arg8 : memref<!tpu.dma_semaphore, #tpu.memory_space<semaphore_mem>>) src(%dma_wait3A_85 : memref<1000000x32xf32, #tpu.memory_space<hbm>>) dst(%dma_wait3A_79 : memref<512x32xf32, #tpu.memory_space<vmem>>)
    %dma_start3A_86 = arith.constant 1 : i32
    %dma_start3A_87 = arith.constant 49 : i32
    %dma_start3A_88 = arith.constant 0 : i32
    %dma_start3A_89 = arith.constant 0 : i32
    %dma_start3A_90 = tpu.memref_slice %arg6[%dma_start3A_86, %dma_start3A_88, %dma_start3A_89] : memref<4x512x32xf32, #tpu.memory_space<vmem>> -> memref<1x512x32xf32, #tpu.memory_space<vmem>>
    %dma_start3A_91 = tpu.memref_squeeze %dma_start3A_90 : memref<1x512x32xf32, #tpu.memory_space<vmem>> -> memref<512x32xf32, #tpu.memory_space<vmem>>
    %dma_start3A_92 = arith.constant 0 : i32
    %dma_start3A_93 = tpu.memref_slice %arg4[%dma_start3A_87, %mul3A_2, %dma_start3A_92] : memref<50x16384x32xf32, #tpu.memory_space<hbm>> -> memref<1x512x32xf32, #tpu.memory_space<hbm>>
    %dma_start3A_94 = tpu.memref_squeeze %dma_start3A_93 : memref<1x512x32xf32, #tpu.memory_space<hbm>> -> memref<512x32xf32, #tpu.memory_space<hbm>>
    %dma_start3A_95 = arith.constant 0 : i32
    %dma_start3A_96 = tpu.memref_slice %arg4[%dma_start3A_87, %mul3A_2, %dma_start3A_95] : memref<50x16384x32xf32, #tpu.memory_space<hbm>> -> memref<1x512x32xf32, #tpu.memory_space<hbm>>
    %dma_start3A_97 = tpu.memref_squeeze %dma_start3A_96 : memref<1x512x32xf32, #tpu.memory_space<hbm>> -> memref<512x32xf32, #tpu.memory_space<hbm>>
    %dma_start3A_98 = arith.constant 0 : i32
    %dma_start3A_99 = arith.constant 0 : i32
    %dma_start3A_100 = tpu.memref_slice %arg6[%dma_start3A_86, %dma_start3A_98, %dma_start3A_99] : memref<4x512x32xf32, #tpu.memory_space<vmem>> -> memref<1x512x32xf32, #tpu.memory_space<vmem>>
    %dma_start3A_101 = tpu.memref_squeeze %dma_start3A_100 : memref<1x512x32xf32, #tpu.memory_space<vmem>> -> memref<512x32xf32, #tpu.memory_space<vmem>>
    tpu.enqueue_dma source(%dma_start3A_101 : memref<512x32xf32, #tpu.memory_space<vmem>>) target(%dma_start3A_97 : memref<512x32xf32, #tpu.memory_space<hbm>>) target_semaphore(%arg10 : memref<!tpu.dma_semaphore, #tpu.memory_space<semaphore_mem>>)
    %dma_wait3A_102 = arith.constant 3 : i32
    %dma_wait3A_103 = arith.constant 47 : i32
    %dma_wait3A_104 = arith.constant 0 : i32
    %dma_wait3A_105 = arith.constant 0 : i32
    %dma_wait3A_106 = tpu.memref_slice %arg6[%dma_wait3A_102, %dma_wait3A_104, %dma_wait3A_105] : memref<4x512x32xf32, #tpu.memory_space<vmem>> -> memref<1x512x32xf32, #tpu.memory_space<vmem>>
    %dma_wait3A_107 = tpu.memref_squeeze %dma_wait3A_106 : memref<1x512x32xf32, #tpu.memory_space<vmem>> -> memref<512x32xf32, #tpu.memory_space<vmem>>
    %dma_wait3A_108 = arith.constant 0 : i32
    %dma_wait3A_109 = tpu.memref_slice %arg4[%dma_wait3A_103, %mul3A_2, %dma_wait3A_108] : memref<50x16384x32xf32, #tpu.memory_space<hbm>> -> memref<1x512x32xf32, #tpu.memory_space<hbm>>
    %dma_wait3A_110 = tpu.memref_squeeze %dma_wait3A_109 : memref<1x512x32xf32, #tpu.memory_space<hbm>> -> memref<512x32xf32, #tpu.memory_space<hbm>>
    %dma_wait3A_111 = arith.constant 0 : i32
    %dma_wait3A_112 = tpu.memref_slice %arg4[%dma_wait3A_103, %mul3A_2, %dma_wait3A_111] : memref<50x16384x32xf32, #tpu.memory_space<hbm>> -> memref<1x512x32xf32, #tpu.memory_space<hbm>>
    %dma_wait3A_113 = tpu.memref_squeeze %dma_wait3A_112 : memref<1x512x32xf32, #tpu.memory_space<hbm>> -> memref<512x32xf32, #tpu.memory_space<hbm>>
    %dma_wait3A_114 = arith.constant 0 : i32
    %dma_wait3A_115 = arith.constant 0 : i32
    %dma_wait3A_116 = tpu.memref_slice %arg6[%dma_wait3A_102, %dma_wait3A_114, %dma_wait3A_115] : memref<4x512x32xf32, #tpu.memory_space<vmem>> -> memref<1x512x32xf32, #tpu.memory_space<vmem>>
    %dma_wait3A_117 = tpu.memref_squeeze %dma_wait3A_116 : memref<1x512x32xf32, #tpu.memory_space<vmem>> -> memref<512x32xf32, #tpu.memory_space<vmem>>
    tpu.wait_dma2 semaphore(%arg10 : memref<!tpu.dma_semaphore, #tpu.memory_space<semaphore_mem>>) src(%dma_wait3A_117 : memref<512x32xf32, #tpu.memory_space<vmem>>) dst(%dma_wait3A_113 : memref<512x32xf32, #tpu.memory_space<hbm>>)
    %dma_wait3A_118 = arith.constant 0 : i32
    %dma_wait3A_119 = arith.constant 48 : i32
    %dma_wait3A_120 = arith.constant 0 : i32
    %dma_wait3A_121 = arith.constant 0 : i32
    %dma_wait3A_122 = tpu.memref_slice %arg6[%dma_wait3A_118, %dma_wait3A_120, %dma_wait3A_121] : memref<4x512x32xf32, #tpu.memory_space<vmem>> -> memref<1x512x32xf32, #tpu.memory_space<vmem>>
    %dma_wait3A_123 = tpu.memref_squeeze %dma_wait3A_122 : memref<1x512x32xf32, #tpu.memory_space<vmem>> -> memref<512x32xf32, #tpu.memory_space<vmem>>
    %dma_wait3A_124 = arith.constant 0 : i32
    %dma_wait3A_125 = tpu.memref_slice %arg4[%dma_wait3A_119, %mul3A_2, %dma_wait3A_124] : memref<50x16384x32xf32, #tpu.memory_space<hbm>> -> memref<1x512x32xf32, #tpu.memory_space<hbm>>
    %dma_wait3A_126 = tpu.memref_squeeze %dma_wait3A_125 : memref<1x512x32xf32, #tpu.memory_space<hbm>> -> memref<512x32xf32, #tpu.memory_space<hbm>>
    %dma_wait3A_127 = arith.constant 0 : i32
    %dma_wait3A_128 = tpu.memref_slice %arg4[%dma_wait3A_119, %mul3A_2, %dma_wait3A_127] : memref<50x16384x32xf32, #tpu.memory_space<hbm>> -> memref<1x512x32xf32, #tpu.memory_space<hbm>>
    %dma_wait3A_129 = tpu.memref_squeeze %dma_wait3A_128 : memref<1x512x32xf32, #tpu.memory_space<hbm>> -> memref<512x32xf32, #tpu.memory_space<hbm>>
    %dma_wait3A_130 = arith.constant 0 : i32
    %dma_wait3A_131 = arith.constant 0 : i32
    %dma_wait3A_132 = tpu.memref_slice %arg6[%dma_wait3A_118, %dma_wait3A_130, %dma_wait3A_131] : memref<4x512x32xf32, #tpu.memory_space<vmem>> -> memref<1x512x32xf32, #tpu.memory_space<vmem>>
    %dma_wait3A_133 = tpu.memref_squeeze %dma_wait3A_132 : memref<1x512x32xf32, #tpu.memory_space<vmem>> -> memref<512x32xf32, #tpu.memory_space<vmem>>
    tpu.wait_dma2 semaphore(%arg9 : memref<!tpu.dma_semaphore, #tpu.memory_space<semaphore_mem>>) src(%dma_wait3A_133 : memref<512x32xf32, #tpu.memory_space<vmem>>) dst(%dma_wait3A_129 : memref<512x32xf32, #tpu.memory_space<hbm>>)
    %dma_wait3A_134 = arith.constant 1 : i32
    %dma_wait3A_135 = arith.constant 49 : i32
    %dma_wait3A_136 = arith.constant 0 : i32
    %dma_wait3A_137 = arith.constant 0 : i32
    %dma_wait3A_138 = tpu.memref_slice %arg6[%dma_wait3A_134, %dma_wait3A_136, %dma_wait3A_137] : memref<4x512x32xf32, #tpu.memory_space<vmem>> -> memref<1x512x32xf32, #tpu.memory_space<vmem>>
    %dma_wait3A_139 = tpu.memref_squeeze %dma_wait3A_138 : memref<1x512x32xf32, #tpu.memory_space<vmem>> -> memref<512x32xf32, #tpu.memory_space<vmem>>
    %dma_wait3A_140 = arith.constant 0 : i32
    %dma_wait3A_141 = tpu.memref_slice %arg4[%dma_wait3A_135, %mul3A_2, %dma_wait3A_140] : memref<50x16384x32xf32, #tpu.memory_space<hbm>> -> memref<1x512x32xf32, #tpu.memory_space<hbm>>
    %dma_wait3A_142 = tpu.memref_squeeze %dma_wait3A_141 : memref<1x512x32xf32, #tpu.memory_space<hbm>> -> memref<512x32xf32, #tpu.memory_space<hbm>>
    %dma_wait3A_143 = arith.constant 0 : i32
    %dma_wait3A_144 = tpu.memref_slice %arg4[%dma_wait3A_135, %mul3A_2, %dma_wait3A_143] : memref<50x16384x32xf32, #tpu.memory_space<hbm>> -> memref<1x512x32xf32, #tpu.memory_space<hbm>>
    %dma_wait3A_145 = tpu.memref_squeeze %dma_wait3A_144 : memref<1x512x32xf32, #tpu.memory_space<hbm>> -> memref<512x32xf32, #tpu.memory_space<hbm>>
    %dma_wait3A_146 = arith.constant 0 : i32
    %dma_wait3A_147 = arith.constant 0 : i32
    %dma_wait3A_148 = tpu.memref_slice %arg6[%dma_wait3A_134, %dma_wait3A_146, %dma_wait3A_147] : memref<4x512x32xf32, #tpu.memory_space<vmem>> -> memref<1x512x32xf32, #tpu.memory_space<vmem>>
    %dma_wait3A_149 = tpu.memref_squeeze %dma_wait3A_148 : memref<1x512x32xf32, #tpu.memory_space<vmem>> -> memref<512x32xf32, #tpu.memory_space<vmem>>
    tpu.wait_dma2 semaphore(%arg10 : memref<!tpu.dma_semaphore, #tpu.memory_space<semaphore_mem>>) src(%dma_wait3A_149 : memref<512x32xf32, #tpu.memory_space<vmem>>) dst(%dma_wait3A_145 : memref<512x32xf32, #tpu.memory_space<hbm>>)
    return
  }
}

</mosaic_0001>

<sc_bundles>
// kernel: _run.3.cloned.1.call-start
scs
__scs_entry_jumppad:
0x0: {  	(pc) =	sbr.rel $0x88, $3  }
0x1: {  	(tag) =	ssettag $0x0;
	lr =	simm.s32 $0x1  }
0x2: {  	[smem:$0x3F9F] =	sst lr;
	_ =	strace $0xD0000000  }
0x3: {  	_ = 	snop  }
0x4: {  	_ = 	snop  }
0x5: {  	_ = 	snop  }
0x6: {  	_ = 	snop  }
0x7: {  	_ = 	snop  }
__scs_overlays_trampoline_lowered:
0x8: {  	[smem:$0x3FAE] =	sst s0  }
0x9: {  	[smem:$0x3FAF] =	sst s1  }
0xa: {  	[smem:$0x3FB0] =	sst s2  }
0xb: {  	[smem:$0x3FB1] =	sst s3  }
0xc: {  	[smem:$0x3FB2] =	sst s4  }
0xd: {  	[smem:$0x3FB3] =	sst s5  }
0xe: {  	[smem:$0x3FB4] =	sst s6  }
0xf: {  	[smem:$0x3FB5] =	sst s7  }
0x10: {  	[smem:$0x3FB6] =	sst s8  }
0x11: {  	[smem:$0x3FB7] =	sst s9;
	s0 =	simm.s32 @!p0 $0x0  }
0x12: {  	s1 =	sld [smem:$0x3F9D];
	s0 =	simm.s32 @p0 $0x1  }
0x13: {  	[smem:$0x3FB8] =	sst s0;
	s0 =	simm.s32 @!p1 $0x0  }
0x14: {  	s2 =	sld [smem:$0x3F9C];
	s0 =	simm.s32 @p1 $0x1  }
0x15: {  	[smem:$0x3FB9] =	sst s0;
	s0 =	simm.s32 @!p2 $0x0  }
0x16: {  	s3 =	sld [smem:$0x3FDB];
	s0 =	simm.s32 @p2 $0x1  }
0x17: {  	s4 =	simm.s32 $0x1BF5;
	[smem:$0x3FBB] =	sst s0  }
0x18: {  	s0 =	sld [smem:$0x3F9E];
	_ =	swait.ge [sflag:s4], $0x0  }
0x19: {  	s7 =	sld [smem:$0x3F9F]  }
0x1a: {  	s8 =	sadd.s32 $0xFFFFE003, lr  }
0x1b: {  	s9 =	sadd.s32 $0xFFFFFEF7, lr;
	s5 =	simm.s32 $0xFFFFFFFF;
	p2 =	slt.u32 s8, $0xFFFFF086  }
0x1c: {  	p1 =	slt.u32 s9, $0xF7A;
	s5 =	simm.s32 @!p2 $0x0  }
0x1d: {  	s5 =	simm.s32 @p1 $0x1;
	p0 =	seq.s32 s7, s2  }
0x1e: {  	s7 =	smul.u32 @!p0 $0xF7A, s2;
	p2 =	seq.s32 @!p0 s5, $0x0  }
0x1f: {  	s9 =	smul.u32 $0xF7A, s1;
	s8 =	simm.s32 @!p0 $0x1BF5;
	p2 =	por !p2, p0  }
0x20: {  	[sflag:s8] =	ssyncset.s32 @!p0 $0xFFFFF086;
	s6 =	sadd.s32 @!p0 s3, s7;
	s7 =	simm.s32 @!p0 $0x108  }
0x21: {  	s3 =	sadd.s32 s3, s9;
	s6 =	sadd.s32 @!p0 $0x88, s6;
	s7 =	simm.s32 @p2 $0x1082  }
0x22: {  	[simem:s7], [sflag:s8] =	dma.local @!p0 [hbm:s6], $0xF7A  }
0x23: {  	s9 =	sor.u32 $0xD0000000, s2;
	s6 =	simm.s32 $0x108;
	_ =	swait.ge @!p0 [sflag:s8], $0x0  }
0x24: {  	s3 =	sadd.s32 $0x88, s3;
	s6 =	simm.s32 @!p1 $0x1082;
	[sflag:s4] =	ssyncset.s32 $0xFFFFF086  }
0x25: {  	[simem:s6], [sflag:s4] =	dma.local [hbm:s3], $0xF7A  }
0x26: {  	[smem:$0x3F9F] =	sst s1;
	(tag) =	ssettag s2;
	_ =	strace s9  }
0x27: {  	s1 =	sld [smem:$0x3FAF]  }
0x28: {  	s2 =	sld [smem:$0x3FB0]  }
0x29: {  	s4 =	sld [smem:$0x3FB2]  }
0x2a: {  	p0 =	seq.s32 s5, $0x0;
	s5 =	sld [smem:$0x3FB3]  }
0x2b: {  	s6 =	sld [smem:$0x3FB4]  }
0x2c: {  	s7 =	sld [smem:$0x3FB5]  }
0x2d: {  	s3 =	simm.s32 $0x108;
	s8 =	sld [smem:$0x3FB6]  }
0x2e: {  	s3 =	simm.s32 @!p0 $0x1082;
	s9 =	sld [smem:$0x3FB7]  }
0x2f: {  	lr =	sadd.s32 s0, s3;
	s0 =	sld [smem:$0x3FAE]  }
0x30: {  	s3 =	sld [smem:$0x3FB1]  }
0x31: {  	[smem:$0x3FBA] =	sst s10  }
0x32: {  	s10 =	sld [smem:$0x3FB8];
	_ =	sdelay $0x3  }
0x33: {  	p0 =	seq.s32 s10, $0x1;
	s10 =	sld [smem:$0x3FBA];
	_ =	sdelay $0x3  }
0x34: {  	[smem:$0x3FBA] =	sst s10  }
0x35: {  	s10 =	sld [smem:$0x3FB9];
	_ =	sdelay $0x3  }
0x36: {  	p1 =	seq.s32 s10, $0x1;
	s10 =	sld [smem:$0x3FBA];
	_ =	sdelay $0x3  }
0x37: {  	[smem:$0x3FBA] =	sst s10  }
0x38: {  	s10 =	sld [smem:$0x3FBB]  }
0x39: {  	_ = 	snop;
	(pc) =	sbr.ind lr, $3  }
0x3a: {  	_ = 	snop  }
0x3b: {  	_ = 	snop  }
0x3c: {  	p2 =	seq.s32 s10, $0x1;
	s10 =	sld [smem:$0x3FBA]  }
0x3d: {  	_ =	shalt  }
0x3e: {  	_ =	shalt  }
0x3f: {  	_ =	shalt  }
0x40: {  	_ =	shalt  }
0x41: {  	_ =	shalt  }
0x42: {  	_ =	shalt  }
0x43: {  	_ =	shalt  }
0x44: {  	_ =	shalt  }
0x45: {  	_ =	shalt  }
0x46: {  	_ =	shalt  }
0x47: {  	_ =	shalt  }
0x48: {  	_ =	shalt  }
0x49: {  	_ =	shalt  }
0x4a: {  	_ =	shalt  }
0x4b: {  	_ =	shalt  }
0x4c: {  	_ =	shalt  }
0x4d: {  	_ =	shalt  }
0x4e: {  	_ =	shalt  }
0x4f: {  	_ =	shalt  }
0x50: {  	_ =	shalt  }
0x51: {  	_ =	shalt  }
0x52: {  	_ =	shalt  }
0x53: {  	_ =	shalt  }
0x54: {  	_ =	shalt  }
0x55: {  	_ =	shalt  }
0x56: {  	_ =	shalt  }
0x57: {  	_ =	shalt  }
0x58: {  	_ =	shalt  }
0x59: {  	_ =	shalt  }
0x5a: {  	_ =	shalt  }
0x5b: {  	_ =	shalt  }
0x5c: {  	_ =	shalt  }
0x5d: {  	_ =	shalt  }
0x5e: {  	_ =	shalt  }
0x5f: {  	_ =	shalt  }
0x60: {  	_ =	shalt  }
0x61: {  	_ =	shalt  }
0x62: {  	_ =	shalt  }
0x63: {  	_ =	shalt  }
0x64: {  	_ =	shalt  }
0x65: {  	_ =	shalt  }
0x66: {  	_ =	shalt  }
0x67: {  	_ =	shalt  }
0x68: {  	_ =	shalt  }
0x69: {  	_ =	shalt  }
0x6a: {  	_ =	shalt  }
0x6b: {  	_ =	shalt  }
0x6c: {  	_ =	shalt  }
0x6d: {  	_ =	shalt  }
0x6e: {  	_ =	shalt  }
0x6f: {  	_ =	shalt  }
0x70: {  	_ =	shalt  }
0x71: {  	_ =	shalt  }
0x72: {  	_ =	shalt  }
0x73: {  	_ =	shalt  }
0x74: {  	_ =	shalt  }
0x75: {  	_ =	shalt  }
0x76: {  	_ =	shalt  }
0x77: {  	_ =	shalt  }
0x78: {  	_ =	shalt  }
0x79: {  	_ =	shalt  }
0x7a: {  	_ =	shalt  }
0x7b: {  	_ =	shalt  }
0x7c: {  	_ =	shalt  }
0x7d: {  	_ =	shalt  }
0x7e: {  	_ =	shalt  }
0x7f: {  	_ =	shalt  }
0x80: {  	_ =	shalt  }
0x81: {  	_ =	shalt  }
0x82: {  	_ =	shalt  }
0x83: {  	_ =	shalt  }
0x84: {  	_ =	shalt  }
0x85: {  	_ =	shalt  }
0x86: {  	_ =	shalt  }
0x87: {  	_ =	shalt  }
.Lfunc_end0:
.L_simem_size_0:
called_computation.1_lowered:
.L_overlay_start_0:
0x88: {  	s2 =	sld [smem:$0x3FD9]  }
0x89: {  	s3 =	sld [smem:$0x3FFE];
	_ =	sdelay $0x1  }
0x8a: {  	s1 =	srdreg.scid  }
0x8b: {  	s0 =	sand.u32 $0x1, s1  }
0x8c: {  	s17 =	sshll.u32 s0, $0xA;
	s2 =	sadd.s32 s3, s2  }
0x8d: {  	s2 =	sadd.s32 s2, s17  }
0x8e: {  	[smem:$0x3FC6] =	sst s2  }
0x8f: {  	_ = 	snop  }
0x90: {  	s2 =	sld [smem:$0x3FD0];
	(tm) =	ssettm $0x1  }
0x91: {  	s18 =	sld [smem:$0x3FFB];
	_ =	sdelay $0x3  }
0x92: {  	_ =	strace s18  }
0x93: {  	s3 =	sld [smem:$0x3FFC];
	_ =	sdelay $0x3  }
0x94: {  	_ =	strace s3  }
0x95: {  	s3 =	sld [smem:$0x3FFD];
	_ =	sdelay $0x3  }
0x96: {  	_ =	strace s3  }
0x97: {  	_ =	strace $0x8FFFFFFF  }
0x98: {  	s19 =	sld [smem:$0x3FDB];
	_ =	sdelay $0x1  }
0x99: {  	s4 =	simm.s32 $_scs_section_size  }
0x9a: {  	s5 =	simm.s32 $_size__tile_overlayer_lowered;
	s6 =	simm.s32 $_tile_overlayer_lowered  }
0x9b: {  	s22 =	simm.s32 $0x1BFF;
	s21 =	sshll.u32 s6, $0x1;
	s3 =	sadd.s32 s4, s19  }
0x9c: {  	s7 =	simm.s32 $0x0;
	s20 =	sshll.u32 s5, $0x1;
	s5 =	sadd.s32 s21, s3  }
0x9d: {  	[timem:s7], [sflag:s22] =	dma.local [hbm:s5], s20  }
0x9e: {  	_ =	swait.ge [sflag:s22], s20  }
0x9f: {  	s4 =	ssub.s32 $0x0, s20;
	[sflag:s22] =	ssyncset.done $0x0  }
0xa0: {  	[sflag:s22] =	ssyncadd.s32 s4;
	_ =	sdelay $0x1  }
0xa1: {  	s23 =	simm.s32 $0x1B8B  }
0xa2: {  	_ =	swait.ge [sflag:s23], $0x1  }
0xa3: {  	[sflag:s23] =	ssyncset.done $0x0  }
0xa4: {  	s25 =	simm.s32 $0x1B8E;
	s24 =	sld [smem:$0x3FFE];
	[sflag:s23] =	ssyncadd.s32 $0xFFFFFFFF  }
0xa5: {  	s26 =	simm.s32 $execute0_lowered;
	[smem:$0x3FD2] =	sst s25  }
0xa6: {  	s5 =	sshll.u32 s26, $0x1;
	_ =	strace $0x80000046;
	[dreg:$0x1] =	wrdreg $0xFFFFFFFF  }
0xa7: {  	s28 =	simm.s32 $_size_execute0_lowered;
	s3 =	sadd.s32 s3, s5;
	[dreg:$0x0] =	wrdreg $0x0  }
0xa8: {  	s5 =	sshll.u32 s28, $0x1;
	[dreg:$0x2] =	wrdreg s3  }
0xa9: {  	[dreg:$0x3] =	wrdreg s5  }
0xaa: {  	[dreg:$0x4] =	wrdreg $0xC0  }
0xab: {  	_ =	task [dreg:s7], $0x5FFFF  }
0xac: {  	[dreg:$0x1] =	wrdreg $0xFFFFFFFF  }
0xad: {  	[dreg:$0x0] =	wrdreg $0x60  }
0xae: {  	[dreg:$0x2] =	wrdreg s24  }
0xaf: {  	[dreg:$0x3] =	wrdreg s2  }
0xb0: {  	[dreg:$0x4] =	wrdreg $0x9  }
0xb1: {  	_ =	task.clear_ibuf [dreg:s7], $0x5FFFF;
	_ =	strace $0x90000046  }
0xb2: {  	s29 =	simm.s32 $0x9;
	_ =	strace $0x80000048  }
0xb3: {  	_ =	swait.ge [sflag:s29], $0x1  }
0xb4: {  	[sflag:s29] =	ssyncadd.s32 $0xFFFFFFFF  }
0xb5: {  	_ =	strace $0x90000048  }
0xb6: {  	_ =	sfence  }
0xb7: {  	s30 =	sld [smem:$0x0];
	_ =	sdelay $0x2  }
0xb8: {  	s31 =	sshll.u32 s1, $0xD;
	s1 =	sshrl.u32 s1, $0x2  }
0xb9: {  	s3 =	sand.u32 $0x4000, s31;
	s1 =	sadd.s32 s1, s30  }
0xba: {  	s0 =	sor.u32 s3, s0;
	s1 =	sshll.u32 s1, $0x11  }
0xbb: {  	s0 =	sor.u32 s1, s0  }
0xbc: {  	s0 =	sadd.s32 $0x8F2B, s0  }
0xbd: {  	[sflag:s0] =	ssyncadd.remote.s32 $0x1  }
0xbe: {  	_ =	sfence.sel $0xFFFF  }
0xbf: {  	[dreg:$0x0] =	wrdreg $0xFFFFFFFF;
	(pc) =	sbr.abs _section_cstart, $3  }
0xc0: {  	[dreg:$0x1] =	wrdreg $0xFFFFFFFF  }
0xc1: {  	_ =	task.clear_ibuf [dreg:s7], $0x2FFFF;
	_ =	strace $0x9FFFFFFF  }
0xc2: {  	(tm) =	ssettm $0x7FFFFFFF  }
0xc3: {  	_ =	shalt  }
tec
execute0_lowered:
.L_overlay_start_1:
0x0: {  	(tag) =	ssettag $0x1  }
0x1: {  	s0 =	rddreg [dreg:$0x0]  }
0x2: {  	s2 =	rddreg [dreg:$0x1]  }
0x3: {  	s1 =	srdreg.scid;
	s3 =	simm.s32 $0x0;
	s8 =	stileid.u32  }
0x4: {  	s17 =	simm.s32 $0x200;
	s19 =	simm.s32 $0x5;
	s20 =	simm.s32 $0x6400  }
0x5: {  	s21 =	simm.s32 $0xA400;
	s22 =	simm.s32 $0x1;
	s28 =	simm.s32 $0x12400  }
0x6: {  	s29 =	simm.s32 $0x3;
	s31 =	simm.s32 $0x4;
	s1 =	sand.u32 $0x1, s1  }
0x7: {  	[smem:$0x7FF] =	sst s3;
	s4 =	sshll.u32 s8, $0xA;
	s25 =	sshll.u32 s8, $0xF  }
0x8: {  	s5 =	sshll.u32 s1, $0x9;
	_ =	strace $0x80000047;
	s7 =	ssub.s32 $0x2, s1  }
0x9: {  	s1 =	sshll.u32 s1, $0xE;
	s5 =	sor.u32 s5, s4;
	s4 =	sadd.s32 $0xF42E00, s0  }
0xa: {  	s23 =	sshrl.u32 s7, $0x1;
	s6 =	sshrl.u32 s5, $0x3;
	s11 =	sshll.u32 s5, $0x2  }
0xb: {  	s10 =	ssub.s32 s7, s23;
	s7 =	sadd.s32 $0x10000, s2;
	s0 =	sadd.s32 s6, s0  }
0xc: {  	s6 =	sadd.s32 s2, s11;
	s10 =	smax.u32 s10, $0x1;
	s11 =	sadd.s32 s11, s7  }
0xd: {  	s0 =	sadd.s32 $0xA00, s0;
	s24 =	sadd.s32 $0x300000, s6;
	s9 =	sadd.s32 $0x310000, s6  }
0xe: {  	s12 =	sadd.s32 $0x20000, s6;
	s13 =	sadd.s32 $0x30000, s6;
	[dreg:$0x3] =	wrdreg s0  }
0xf: {  	[dreg:$0x4] =	wrdreg s24;
	s0 =	sor.u32 s1, s25;
	s24 =	simm.s32 $0xE400  }
0x10: {  	s25 =	simm.s32 $0x2;
	s1 =	sor.u32 $0x380000, s0;
	s15 =	sor.u32 $0x300000, s0  }
0x11: {  	s14 =	sor.u32 $0x200000, s0;
	s26 =	sshrl.u32 s1, $0x3;
	s30 =	sshrl.u32 s15, $0x3  }
0x12: {  	s1 =	simm.s32 $0x0;
	s15 =	sadd.s32 s26, s2;
	s16 =	sadd.s32 s30, s2  }
.LBB2_1:
0x13: {  	s0 =	rddreg [dreg:$0x3];
	s5 =	simm.s32 $0x4000  }
0x14: {  	[tilespmem:s3], [sflag:$0x5] =	stream.strided.gather [hbm4b:s0+s17], $0x6400, s5, s17, $0x38;
	[tilespmem:$0x16400] =	vst v63  }
0x15: {  	_ =	swait.ge [sflag:s19], $0x6400  }
0x16: {  	[sflag:s19] =	ssyncset.done $0x0  }
0x17: {  	[sflag:s19] =	ssyncadd.s32 $0xFFFF9C00  }
0x18: {  	[tilespmem:s20], [sflag:$0x1] =	stream.indirect.gather [hbm4b:s4+s17], $0x20, s3, s17, $0xb8;
	[tilespmem:$0x16400] =	vst v63  }
0x19: {  	_ = 	snop  }
0x1a: {  	[tilespmem:s21], [sflag:$0x2] =	stream.indirect.gather [hbm4b:s4+s17], $0x20, s17, s17, $0xb8;
	[tilespmem:$0x16400] =	vst v63  }
0x1b: {  	_ =	swait.ge [sflag:s22], $0x4000  }
0x1c: {  	[sflag:s22] =	ssyncset.done $0x0  }
0x1d: {  	[sflag:s22] =	ssyncadd.s32 $0xFFFFC000  }
0x1e: {  	[hbm4b:s6+s3] =	stream.linear.scatter [tilespmem:s20], [sflag:$0x3], $0x4000, $0x38;
	[tilespmem:$0x16400] =	vst v63  }
0x1f: {  	s8 =	simm.s32 $0x400  }
0x20: {  	[tilespmem:s24], [sflag:$0x1] =	stream.indirect.gather [hbm4b:s4+s17], $0x20, s8, s17, $0xb8;
	[tilespmem:$0x16400] =	vst v63  }
0x21: {  	_ =	swait.ge [sflag:s25], $0x4000  }
0x22: {  	[sflag:s25] =	ssyncset.done $0x0  }
0x23: {  	[sflag:s25] =	ssyncadd.s32 $0xFFFFC000  }
0x24: {  	[hbm4b:s11+s3] =	stream.linear.scatter [tilespmem:s21], [sflag:$0x4], $0x4000, $0x38;
	[tilespmem:$0x16400] =	vst v63  }
0x25: {  	s18 =	simm.s32 $0x600  }
0x26: {  	[tilespmem:s28], [sflag:$0x2] =	stream.indirect.gather [hbm4b:s4+s17], $0x20, s18, s17, $0xb8;
	[tilespmem:$0x16400] =	vst v63  }
0x27: {  	_ =	swait.ge [sflag:s22], $0x4000  }
0x28: {  	[sflag:s22] =	ssyncset.done $0x0  }
0x29: {  	[sflag:s22] =	ssyncadd.s32 $0xFFFFC000  }
0x2a: {  	[hbm4b:s12+s3] =	stream.linear.scatter [tilespmem:s24], [sflag:$0x3], $0x4000, $0x38;
	[tilespmem:$0x16400] =	vst v63  }
0x2b: {  	_ =	swait.ge [sflag:s29], $0x4000  }
0x2c: {  	[sflag:s29] =	ssyncset.done $0x0  }
0x2d: {  	s23 =	simm.s32 $0x800;
	[sflag:s29] =	ssyncadd.s32 $0xFFFFC000  }
0x2e: {  	[tilespmem:s20], [sflag:$0x1] =	stream.indirect.gather [hbm4b:s4+s17], $0x20, s23, s17, $0xb8;
	[tilespmem:$0x16400] =	vst v63  }
0x2f: {  	_ =	swait.ge [sflag:s25], $0x4000  }
0x30: {  	[sflag:s25] =	ssyncset.done $0x0  }
0x31: {  	[sflag:s25] =	ssyncadd.s32 $0xFFFFC000  }
0x32: {  	[hbm4b:s13+s3] =	stream.linear.scatter [tilespmem:s28], [sflag:$0x4], $0x4000, $0x38;
	[tilespmem:$0x16400] =	vst v63  }
0x33: {  	_ =	swait.ge [sflag:s31], $0x4000  }
0x34: {  	[sflag:s31] =	ssyncset.done $0x0  }
0x35: {  	s26 =	simm.s32 $0xA00;
	[sflag:s31] =	ssyncadd.s32 $0xFFFFC000  }
0x36: {  	[tilespmem:s21], [sflag:$0x2] =	stream.indirect.gather [hbm4b:s4+s17], $0x20, s26, s17, $0xb8;
	[tilespmem:$0x16400] =	vst v63  }
0x37: {  	_ =	swait.ge [sflag:s22], $0x4000  }
0x38: {  	s5 =	sshrl.u32 s14, $0x3;
	[sflag:s22] =	ssyncset.done $0x0  }
0x39: {  	s18 =	sadd.s32 s2, s5;
	[sflag:s22] =	ssyncadd.s32 $0xFFFFC000  }
0x3a: {  	[hbm4b:s18+s3] =	stream.linear.scatter [tilespmem:s20], [sflag:$0x3], $0x4000, $0x38;
	[tilespmem:$0x16400] =	vst v63  }
0x3b: {  	_ =	swait.ge [sflag:s29], $0x4000  }
0x3c: {  	[sflag:s29] =	ssyncset.done $0x0  }
0x3d: {  	s8 =	simm.s32 $0xC00;
	[sflag:s29] =	ssyncadd.s32 $0xFFFFC000  }
0x3e: {  	[tilespmem:s24], [sflag:$0x1] =	stream.indirect.gather [hbm4b:s4+s17], $0x20, s8, s17, $0xb8;
	[tilespmem:$0x16400] =	vst v63  }
0x3f: {  	_ =	swait.ge [sflag:s25], $0x4000  }
0x40: {  	[sflag:s25] =	ssyncset.done $0x0  }
0x41: {  	s0 =	sadd.s32 s5, s7;
	[sflag:s25] =	ssyncadd.s32 $0xFFFFC000  }
0x42: {  	[hbm4b:s0+s3] =	stream.linear.scatter [tilespmem:s21], [sflag:$0x4], $0x4000, $0x38;
	[tilespmem:$0x16400] =	vst v63  }
0x43: {  	_ =	swait.ge [sflag:s31], $0x4000  }
0x44: {  	[sflag:s31] =	ssyncset.done $0x0  }
0x45: {  	s23 =	simm.s32 $0xE00;
	[sflag:s31] =	ssyncadd.s32 $0xFFFFC000  }
0x46: {  	[tilespmem:s28], [sflag:$0x2] =	stream.indirect.gather [hbm4b:s4+s17], $0x20, s23, s17, $0xb8;
	[tilespmem:$0x16400] =	vst v63  }
0x47: {  	_ =	swait.ge [sflag:s22], $0x4000  }
0x48: {  	[sflag:s22] =	ssyncset.done $0x0  }
0x49: {  	[sflag:s22] =	ssyncadd.s32 $0xFFFFC000  }
0x4a: {  	[hbm4b:s16+s3] =	stream.linear.scatter [tilespmem:s24], [sflag:$0x3], $0x4000, $0x38;
	[tilespmem:$0x16400] =	vst v63  }
0x4b: {  	_ =	swait.ge [sflag:s29], $0x4000  }
0x4c: {  	[sflag:s29] =	ssyncset.done $0x0  }
0x4d: {  	s26 =	simm.s32 $0x1000;
	[sflag:s29] =	ssyncadd.s32 $0xFFFFC000  }
0x4e: {  	[tilespmem:s20], [sflag:$0x1] =	stream.indirect.gather [hbm4b:s4+s17], $0x20, s26, s17, $0xb8;
	[tilespmem:$0x16400] =	vst v63  }
0x4f: {  	_ =	swait.ge [sflag:s25], $0x4000  }
0x50: {  	[sflag:s25] =	ssyncset.done $0x0  }
0x51: {  	[sflag:s25] =	ssyncadd.s32 $0xFFFFC000  }
0x52: {  	[hbm4b:s15+s3] =	stream.linear.scatter [tilespmem:s28], [sflag:$0x4], $0x4000, $0x38;
	[tilespmem:$0x16400] =	vst v63  }
0x53: {  	s30 =	sadd.s32 $0x200000, s14;
	_ =	swait.ge [sflag:s31], $0x4000  }
0x54: {  	s18 =	simm.s32 $0x2000;
	s0 =	simm.s32 $0x1200;
	[sflag:s31] =	ssyncset.done $0x0  }
0x55: {  	s23 =	sadd.s32 $0x40000, s15;
	s26 =	sadd.s32 $0x40000, s16;
	[sflag:s31] =	ssyncadd.s32 $0xFFFFC000  }
.LBB2_2:
0x56: {  	[tilespmem:s21], [sflag:$0x2] =	stream.indirect.gather [hbm4b:s4+s17], $0x20, s0, s17, $0xb8;
	[tilespmem:$0x16400] =	vst v63  }
0x57: {  	s0 =	smov.u32 s18  }
0x58: {  	p0 =	sne.s32 s18, $0x14000;
	s18 =	sadd.s32 $0x2000, s18;
	_ =	swait.ge [sflag:s22], $0x4000  }
0x59: {  	s5 =	sshrl.u32 s30, $0x3;
	[sflag:s22] =	ssyncset.done $0x0  }
0x5a: {  	s8 =	sadd.s32 s2, s5;
	[sflag:s22] =	ssyncadd.s32 $0xFFFFC000  }
0x5b: {  	[hbm4b:s8+s3] =	stream.linear.scatter [tilespmem:s20], [sflag:$0x3], $0x4000, $0x38;
	[tilespmem:$0x16400] =	vst v63  }
0x5c: {  	_ =	swait.ge [sflag:s29], $0x4000  }
0x5d: {  	s0 =	sshra.s32 s0, $0x2;
	[sflag:s29] =	ssyncset.done $0x0  }
0x5e: {  	s8 =	sadd.s32 $0xC00, s0;
	[sflag:s29] =	ssyncadd.s32 $0xFFFFC000  }
0x5f: {  	[tilespmem:s24], [sflag:$0x1] =	stream.indirect.gather [hbm4b:s4+s17], $0x20, s8, s17, $0xb8;
	[tilespmem:$0x16400] =	vst v63  }
0x60: {  	_ =	swait.ge [sflag:s25], $0x4000  }
0x61: {  	[sflag:s25] =	ssyncset.done $0x0  }
0x62: {  	s5 =	sadd.s32 s5, s7;
	[sflag:s25] =	ssyncadd.s32 $0xFFFFC000  }
0x63: {  	[hbm4b:s5+s3] =	stream.linear.scatter [tilespmem:s21], [sflag:$0x4], $0x4000, $0x38;
	[tilespmem:$0x16400] =	vst v63  }
0x64: {  	_ =	swait.ge [sflag:s31], $0x4000  }
0x65: {  	[sflag:s31] =	ssyncset.done $0x0  }
0x66: {  	s5 =	sadd.s32 $0xE00, s0;
	[sflag:s31] =	ssyncadd.s32 $0xFFFFC000  }
0x67: {  	[tilespmem:s28], [sflag:$0x2] =	stream.indirect.gather [hbm4b:s4+s17], $0x20, s5, s17, $0xb8;
	[tilespmem:$0x16400] =	vst v63  }
0x68: {  	_ =	swait.ge [sflag:s22], $0x4000  }
0x69: {  	[sflag:s22] =	ssyncset.done $0x0  }
0x6a: {  	[sflag:s22] =	ssyncadd.s32 $0xFFFFC000  }
0x6b: {  	[hbm4b:s26+s3] =	stream.linear.scatter [tilespmem:s24], [sflag:$0x3], $0x4000, $0x38;
	[tilespmem:$0x16400] =	vst v63  }
0x6c: {  	_ =	swait.ge [sflag:s29], $0x4000  }
0x6d: {  	[sflag:s29] =	ssyncset.done $0x0  }
0x6e: {  	s5 =	sadd.s32 $0x1000, s0;
	[sflag:s29] =	ssyncadd.s32 $0xFFFFC000  }
0x6f: {  	[tilespmem:s20], [sflag:$0x1] =	stream.indirect.gather [hbm4b:s4+s17], $0x20, s5, s17, $0xb8;
	[tilespmem:$0x16400] =	vst v63  }
0x70: {  	_ =	swait.ge [sflag:s25], $0x4000  }
0x71: {  	[sflag:s25] =	ssyncset.done $0x0  }
.Ltmp0:
0x72: {  	[sflag:s25] =	ssyncadd.s32 $0xFFFFC000;
	(pc) =	sbr.rel @p0 .LBB2_2-.Ltmp0, $4  }
0x73: {  	[hbm4b:s23+s3] =	stream.linear.scatter [tilespmem:s28], [sflag:$0x4], $0x4000, $0x38;
	[tilespmem:$0x16400] =	vst v63  }
0x74: {  	_ =	swait.ge [sflag:s31], $0x4000  }
0x75: {  	s26 =	sadd.s32 $0x40000, s26;
	s23 =	sadd.s32 $0x40000, s23;
	[sflag:s31] =	ssyncset.done $0x0  }
0x76: {  	s30 =	sadd.s32 $0x200000, s30;
	s0 =	sadd.s32 $0x1200, s0;
	[sflag:s31] =	ssyncadd.s32 $0xFFFFC000  }
0x77: {  	[tilespmem:s21], [sflag:$0x2] =	stream.indirect.gather [hbm4b:s4+s17], $0x20, s0, s17, $0xb8;
	[tilespmem:$0x16400] =	vst v63  }
0x78: {  	_ =	swait.ge [sflag:s22], $0x4000  }
0x79: {  	[sflag:s22] =	ssyncset.done $0x0  }
0x7a: {  	s30 =	rddreg [dreg:$0x4];
	[sflag:s22] =	ssyncadd.s32 $0xFFFFC000  }
0x7b: {  	[hbm4b:s30+s3] =	stream.linear.scatter [tilespmem:s20], [sflag:$0x3], $0x4000, $0x38;
	[tilespmem:$0x16400] =	vst v63  }
0x7c: {  	_ =	swait.ge [sflag:s29], $0x4000  }
0x7d: {  	[sflag:s29] =	ssyncset.done $0x0  }
0x7e: {  	[sflag:s29] =	ssyncadd.s32 $0xFFFFC000  }
0x7f: {  	_ =	swait.ge [sflag:s25], $0x4000  }
0x80: {  	[sflag:s25] =	ssyncset.done $0x0  }
0x81: {  	[sflag:s25] =	ssyncadd.s32 $0xFFFFC000  }
0x82: {  	[hbm4b:s9+s3] =	stream.linear.scatter [tilespmem:s21], [sflag:$0x4], $0x4000, $0x38;
	[tilespmem:$0x16400] =	vst v63  }
0x83: {  	_ =	swait.ge [sflag:s31], $0x4000  }
0x84: {  	[sflag:s31] =	ssyncset.done $0x0  }
0x85: {  	s1 =	sadd.s32 $0x1, s1;
	[sflag:s31] =	ssyncadd.s32 $0xFFFFC000  }
0x86: {  	p0 =	sne.s32 s1, s10;
	_ =	swait.ge [sflag:s29], $0x4000  }
.Ltmp1:
0x87: {  	[sflag:s29] =	ssyncset.done $0x0;
	(pc) =	sbr.rel @p0 .LBB2_1-.Ltmp1, $4  }
0x88: {  	[sflag:s29] =	ssyncadd.s32 $0xFFFFC000  }
0x89: {  	_ =	swait.ge [sflag:s31], $0x4000  }
0x8a: {  	[sflag:s31] =	ssyncset.done $0x0  }
0x8b: {  	[sflag:s31] =	ssyncadd.s32 $0xFFFFC000  }
0x8c: {  	_ =	sfence.sel $0x180000  }
0x8d: {  	[bflag:$0x0] =	sbarrier.arrive $0xFFFF  }
0x8e: {  	_ =	strace $0x90000047  }
0x8f: {  	s0 =	stileid.u32;
	[bflag:$0x2] =	sbarrier.arrive $0xFFFF  }
0x90: {  	p0 =	sne.s32 s0, $0x0;
	s0 =	rddreg [dreg:$0x2]  }
0x91: {  	s0 =	sadd.s32 @!p0 $0x100000, s0  }
0x92: {  	[sflag:s0] =	ssyncadd.tile.s32 @!p0 $0x1;
	_ =	shalt  }
.Lfunc_end2:
_tile_overlayer_lowered:
.L_overlay_start_2:
0x93: {  	(tag) =	ssettag $0x2  }
0x94: {  	s0 =	rddreg [dreg:$0x0];
	s2 =	stileid.u32  }
0x95: {  	s1 =	rddreg [dreg:$0x1];
	p0 =	sne.s32 s2, $0x0  }
0x96: {  	s3 =	rddreg [dreg:$0x2];
	[bflag:$0x3] =	sbarrier.arrive $0xFFFF;
	s2 =	simm.s32 @!p0 $0x1C05  }
0x97: {  	[timem:s3], [sflag:s2] =	dma.local @!p0 [hbm:s0], s1  }
0x98: {  	s0 =	simm.s32 @!p0 $0x5  }
0x99: {  	_ =	swait.ge @!p0 [sflag:s0], s1  }
0x9a: {  	s1 =	ssub.s32 @!p0 $0x0, s1;
	[sflag:s0] =	ssyncset.done @!p0 $0x0  }
0x9b: {  	[sflag:s0] =	ssyncadd.s32 @!p0 s1  }
0x9c: {  	[bflag:$0x3] =	sbarrier.arrive $0xFFFF  }
0x9d: {  	_ =	shalt  }

// kernel: sparse-core-data-format-call.cloned.1.call-start
scs
called_computation_lowered:
.L_overlay_start_0:
0x0: {  	s2 =	sld [smem:$0x3FD9]  }
0x1: {  	s3 =	sld [smem:$0x3FFE];
	_ =	sdelay $0x1  }
0x2: {  	s1 =	srdreg.scid  }
0x3: {  	s0 =	sand.u32 $0x1, s1  }
0x4: {  	s18 =	sshll.u32 s0, $0xA;
	s2 =	sadd.s32 s3, s2  }
0x5: {  	s2 =	sadd.s32 s2, s18  }
0x6: {  	[smem:$0x3FC6] =	sst s2  }
0x7: {  	_ = 	snop  }
0x8: {  	s2 =	sld [smem:$0x3FD0];
	(tm) =	ssettm $0x1  }
0x9: {  	s19 =	sld [smem:$0x3FFB];
	_ =	sdelay $0x3  }
0xa: {  	_ =	strace s19  }
0xb: {  	s3 =	sld [smem:$0x3FFC];
	_ =	sdelay $0x3  }
0xc: {  	_ =	strace s3  }
0xd: {  	s3 =	sld [smem:$0x3FFD];
	_ =	sdelay $0x3  }
0xe: {  	_ =	strace s3  }
0xf: {  	_ =	strace $0x8FFFFFFF  }
0x10: {  	s20 =	sld [smem:$0x3FDB];
	_ =	sdelay $0x1  }
0x11: {  	s4 =	simm.s32 $_scs_section_size  }
0x12: {  	s5 =	simm.s32 $_size__tile_overlayer_lowered;
	s6 =	simm.s32 $_tile_overlayer_lowered  }
0x13: {  	s23 =	simm.s32 $0x1BFF;
	s22 =	sshll.u32 s6, $0x1;
	s3 =	sadd.s32 s4, s20  }
0x14: {  	s7 =	simm.s32 $0x0;
	s21 =	sshll.u32 s5, $0x1;
	s5 =	sadd.s32 s22, s3  }
0x15: {  	[timem:s7], [sflag:s23] =	dma.local [hbm:s5], s21  }
0x16: {  	_ =	swait.ge [sflag:s23], s21  }
0x17: {  	s4 =	ssub.s32 $0x0, s21;
	[sflag:s23] =	ssyncset.done $0x0  }
0x18: {  	[sflag:s23] =	ssyncadd.s32 s4;
	_ =	sdelay $0x1  }
0x19: {  	s24 =	simm.s32 $0x1B8B  }
0x1a: {  	_ =	swait.ge [sflag:s24], $0x1  }
0x1b: {  	[sflag:s24] =	ssyncset.done $0x0  }
0x1c: {  	s26 =	simm.s32 $0x1B8E;
	s25 =	sld [smem:$0x3FFE];
	[sflag:s24] =	ssyncadd.s32 $0xFFFFFFFF  }
0x1d: {  	s27 =	simm.s32 $execute0_lowered;
	[smem:$0x3FD2] =	sst s26  }
0x1e: {  	s5 =	sshll.u32 s27, $0x1;
	_ =	strace $0x80000049;
	[dreg:$0x1] =	wrdreg $0xFFFFFFFF  }
0x1f: {  	s28 =	simm.s32 $_size_execute0_lowered;
	s3 =	sadd.s32 s3, s5;
	[dreg:$0x0] =	wrdreg $0x0  }
0x20: {  	s5 =	sshll.u32 s28, $0x1;
	[dreg:$0x2] =	wrdreg s3  }
0x21: {  	[dreg:$0x3] =	wrdreg s5  }
0x22: {  	[dreg:$0x4] =	wrdreg $0xC0  }
0x23: {  	_ =	task [dreg:s7], $0x5FFFF  }
0x24: {  	[dreg:$0x1] =	wrdreg $0xFFFFFFFF  }
0x25: {  	[dreg:$0x0] =	wrdreg $0x60  }
0x26: {  	[dreg:$0x2] =	wrdreg s25  }
0x27: {  	[dreg:$0x3] =	wrdreg s2  }
0x28: {  	[dreg:$0x4] =	wrdreg $0x9  }
0x29: {  	_ =	task.clear_ibuf [dreg:s7], $0x5FFFF;
	_ =	strace $0x90000049  }
0x2a: {  	s29 =	simm.s32 $0x9;
	_ =	strace $0x8000004B  }
0x2b: {  	_ =	swait.ge [sflag:s29], $0x1  }
0x2c: {  	[sflag:s29] =	ssyncadd.s32 $0xFFFFFFFF  }
0x2d: {  	_ =	strace $0x9000004B  }
0x2e: {  	_ =	sfence  }
0x2f: {  	s30 =	sld [smem:$0x0];
	_ =	sdelay $0x2  }
0x30: {  	s31 =	sshll.u32 s1, $0xD;
	s1 =	sshrl.u32 s1, $0x2  }
0x31: {  	s3 =	sand.u32 $0x4000, s31;
	s1 =	sadd.s32 s1, s30  }
0x32: {  	s0 =	sor.u32 s3, s0;
	s1 =	sshll.u32 s1, $0x11  }
0x33: {  	s0 =	sor.u32 s1, s0  }
0x34: {  	s0 =	sadd.s32 $0x8F2B, s0  }
0x35: {  	[sflag:s0] =	ssyncadd.remote.s32 $0x1  }
0x36: {  	_ =	sfence.sel $0xFFFF  }
0x37: {  	[dreg:$0x0] =	wrdreg $0xFFFFFFFF;
	(pc) =	sbr.abs _section_cstart, $3  }
0x38: {  	[dreg:$0x1] =	wrdreg $0xFFFFFFFF  }
0x39: {  	_ =	task.clear_ibuf [dreg:s7], $0x2FFFF;
	_ =	strace $0x9FFFFFFF  }
0x3a: {  	(tm) =	ssettm $0x7FFFFFFF  }
0x3b: {  	_ =	shalt  }
tec
execute0_lowered:
.L_overlay_start_1:
0x0: {  	(tag) =	ssettag $0x1  }
0x1: {  	s0 =	srdreg.scid  }
0x2: {  	s1 =	sshll.u32 s0, $0x4  }
0x3: {  	s0 =	stileid.u32;
	s1 =	sand.u32 $0x10, s1  }
0x4: {  	s7 =	rddreg [dreg:$0x0];
	s1 =	sor.u32 s0, s1  }
0x5: {  	s4 =	simm.s32 $0x1;
	s8 =	simm.s32 $0x2;
	s2 =	sshll.u32 s1, $0x7  }
0x6: {  	s13 =	simm.s32 $0x0;
	s9 =	simm.s32 $0x20000;
	s1 =	ssub.s32 $0x4000, s2  }
0x7: {  	s14 =	simm.s32 $0x0;
	s11 =	simm.s32 $0x0;
	s3 =	sand.u32 $0xF80, s1  }
0x8: {  	s12 =	simm.s32 $0x0;
	s5 =	sshrl.u32 s1, $0xC;
	p0 =	sne.s32 s3, $0x0  }
.Ltmp0:
0x9: {  	s1 =	rddreg [dreg:$0x2];
	s4 =	simm.s32 @!p0 $0x0;
	(pc) =	sbr.rel .LBB1_1-.Ltmp0, $4  }
0xa: {  	s6 =	sadd.s32 $0xA00, s7;
	s3 =	rddreg [dreg:$0x1];
	s5 =	sadd.s32 s4, s5  }
0xb: {  	_ =	strace $0x8000004A;
	s4 =	simm.s32 $0x1;
	s5 =	smul.u32 $0x19, s5  }
0xc: {  	s7 =	sadd.s32 $0x40A00, s7;
	s10 =	smov.u32 s2;
	[sflag:s4] =	ssyncpa.u1 $0x0  }
0xd: {  	p0 =	por $0x0, $0x0;
	[sflag:s8] =	ssyncpa.u1 $0x0;
	s8 =	sadd.s32 $0x1, s5  }
.LBB1_7:
0xe: {  	s15 =	sadd.s32 $0x1000, s10  }
0xf: {  	s13 =	sadd.s32 $0x2, s11;
	s17 =	smov.u32 s11;
	p2 =	sgt.s32 s15, $0x3FFF  }
0x10: {  	s17 =	smov.u32 @p2 s13  }
0x11: {  	s15 =	smov.u32 @p2 s2;
	p2 =	sgt.s32 s17, $0x31  }
0x12: {  	s17 =	simm.s32 @p2 $0x0;
	p2 =	sne.s32 s12, s8  }
.Ltmp1:
0x13: {  	p1 =	slt.u32 s12, $0x2;
	(pc) =	sbr.rel @!p2 .LBB1_8-.Ltmp1, $4  }
0x14: {  	s16 =	simm.s32 @!p1 $0x2  }
0x15: {  	s14 =	smov.u32 s11;
	p0 =	por !p0, !p0;
	_ =	swait.ge @!p1 [sflag:s16], $0x2000  }
0x16: {  	s13 =	smov.u32 s10;
	[sflag:s16] =	ssyncset.done @!p1 $0x0;
	s10 =	smov.u32 s15  }
0x17: {  	s12 =	sadd.s32 $0x1, s12;
	[sflag:s16] =	ssyncadd.s32 @!p1 $0xFFFFE000;
	s11 =	smov.u32 s17  }
.LBB1_1:
0x18: {  	p1 =	sge.u32 s12, s5  }
0x19: {  	s15 =	sxor.u32 @!p1 $0xFFFFFFFF, s12;
	s16 =	sshll.u32 @!p1 s11, $0x12  }
0x1a: {  	s17 =	sshll.u32 @!p1 s10, $0x4;
	s19 =	simm.s32 @!p1 $0x20;
	s20 =	simm.s32 @!p1 $0x80  }
0x1b: {  	s15 =	sshll.u32 @!p1 s15, $0xD;
	s17 =	sand.u32 @!p1 $0x3FFF0, s17;
	s18 =	sadd.s32 @!p1 s6, s16  }
0x1c: {  	s16 =	sadd.s32 @!p1 s16, s7;
	s15 =	sand.u32 @!p1 $0x2000, s15;
	s18 =	sadd.s32 @!p1 s17, s18  }
0x1d: {  	[tilespmem:s15], [sflag:$0x1] =	stream.strided.gather @!p1 [hbm4b:s18+s19], $0x1000, s20, s19, $0x38;
	[tilespmem:$0x8080] =	vst v63  }
0x1e: {  	s31 =	sadd.s32 $0xFFFFFFFF, s12;
	s16 =	sadd.s32 @!p1 s17, s16;
	s15 =	sor.u32 @!p1 $0x1000, s15  }
0x1f: {  	[tilespmem:s15], [sflag:$0x1] =	stream.strided.gather @!p1 [hbm4b:s16+s19], $0x1000, s20, s19, $0x38;
	[tilespmem:$0x8080] =	vst v63  }
0x20: {  	p1 =	sge.u32 s31, s5  }
.Ltmp2:
0x21: {  	_ = 	snop;
	(pc) =	sbr.rel @p1 .LBB1_7-.Ltmp2, $1  }
0x22: {  	_ =	sdelay $0x3  }
0x23: {  	s15 =	simm.s32 $0x1;
	s17 =	sand.u32 $0x1, s12  }
0x24: {  	_ =	swait.ge [sflag:s4], $0x2000;
	s15 =	simm.s32 @!p0 $0x0;
	s17 =	smul.u32 $0x8100, s17  }
0x25: {  	p2 =	por $0x1, $0x1;
	[sflag:s4] =	ssyncset.done $0x0;
	s16 =	smul.u32 $0x8100, s15  }
0x26: {  	s18 =	sshll.u32 s15, $0xF;
	[sflag:s4] =	ssyncadd.s32 $0xFFFFE000;
	s30 =	sshrl.u32 s17, $0x2  }
0x27: {  	s31 =	sshrl.u32 s18, $0x2;
	s18 =	simm.s32 $0x0;
	s16 =	sshrl.u32 s16, $0x2  }
0x28: {  	s15 =	sor.u32 $0x4000, s30;
	s17 =	sadd.s32 $0x10, s31;
	s16 =	sor.u32 $0x4000, s16  }
.LBB1_3:
0x29: {  	s19 =	sshll.u32 s18, $0xC  }
0x2a: {  	s19 =	sand.u32 $0x3FFFF000, s19  }
0x2b: {  	s20 =	sadd.s32 s19, s17  }
0x2c: {  	s31 =	smul.u32 $0x4080, s18;
	v1 =	vld [tilespmem:s20+$0x0]  }
0x2d: {  	v0 =	vld [tilespmem:s20+$0xFFFFFFF0]  }
0x2e: {  	s18 =	sshra.s32 s31, $0x2  }
0x2f: {  	s18 =	sadd.s32 s18, s16  }
0x30: {  	s21 =	sadd.s32 $0x0, s18  }
0x31: {  	p1 =	por p2, p2;
	s19 =	simm.s32 $0x4;
	s20 =	sadd.s32 $0x20, s20;
	[tilespmem:s21+$0x810 ss:$0x81] =	vst.msk $0xffff, v1  }
.LBB1_4:
0x32: {  	v1 =	vld [tilespmem:s20+$0x0];
	p2 =	sne.s32 s19, $0x1FC;
	[tilespmem:s21+$0x0 ss:$0x81] =	vst.msk $0xffff, v0;
	s21 =	smov.u32 s19;
	s19 =	sadd.s32 $0x4, s19  }
.Ltmp3:
0x33: {  	v0 =	vld [tilespmem:s20+$0xFFFFFFF0];
	(pc) =	sbr.rel @p2 .LBB1_4-.Ltmp3, $4  }
0x34: {  	_ = 	snop  }
0x35: {  	s21 =	sshra.s32 s21, $0x2  }
0x36: {  	s21 =	sadd.s32 s21, s18  }
0x37: {  	s20 =	sadd.s32 $0x20, s20;
	[tilespmem:s21+$0x810 ss:$0x81] =	vst.msk $0xffff, v1  }
.Ltmp4:
0x38: {  	(pc) =	sbr.rel @p1 .LBB1_3-.Ltmp4, $2  }
0x39: {  	_ =	sdelay $0x2  }
0x3a: {  	[tilespmem:s21+$0x0 ss:$0x81] =	vst.msk $0xffff, v0;
	s18 =	simm.s32 $0x1;
	p2 =	por $0x0, $0x0  }
0x3b: {  	s16 =	sshll.u32 s13, $0x3;
	s17 =	sand.u32 $0x78, s13;
	s14 =	sshll.u32 s14, $0x10  }
.Ltmp5:
0x3c: {  	s30 =	sand.u32 $0xF800, s13;
	s16 =	sand.u32 $0x3C00, s16;
	(pc) =	sbr.rel .LBB1_7-.Ltmp5, $4  }
0x3d: {  	s31 =	sand.u32 $0x7, s13;
	s14 =	sadd.s32 s3, s14;
	s16 =	sor.u32 s17, s16  }
0x3e: {  	s13 =	sshll.u32 s31, $0x12;
	s14 =	sadd.s32 s30, s14;
	s16 =	sshrl.u32 s16, $0x3  }
0x3f: {  	s13 =	sor.u32 $0x400, s13;
	s14 =	sadd.s32 s16, s14  }
0x40: {  	[hbm4b:s14+s13] =	stream.strided.scatter [tilespmem:s15], [sflag:$0x2], $0x2000, s9, s13, $0x20;
	[tilespmem:$0x8080] =	vst v63  }
.LBB1_8:
0x41: {  	_ =	sfence.sel $0x180000  }
0x42: {  	s2 =	simm.s32 $0x1;
	[bflag:$0x0] =	sbarrier.arrive $0xFFFF  }
0x43: {  	s31 =	simm.s32 $0x2;
	[sflag:s2] =	ssyncpa.u1 $0x1  }
0x44: {  	[sflag:s31] =	ssyncpa.u1 $0x1  }
0x45: {  	p0 =	sne.s32 s0, $0x0;
	_ =	strace $0x9000004A  }
0x46: {  	s0 =	sadd.s32 @!p0 $0x100000, s1;
	[bflag:$0x2] =	sbarrier.arrive $0xFFFF  }
0x47: {  	[sflag:s0] =	ssyncadd.tile.s32 @!p0 $0x1;
	_ =	shalt  }
.Lfunc_end1:
_tile_overlayer_lowered:
.L_overlay_start_2:
0x48: {  	(tag) =	ssettag $0x2  }
0x49: {  	s0 =	rddreg [dreg:$0x0];
	s2 =	stileid.u32  }
0x4a: {  	s1 =	rddreg [dreg:$0x1];
	p0 =	sne.s32 s2, $0x0  }
0x4b: {  	s3 =	rddreg [dreg:$0x2];
	[bflag:$0x3] =	sbarrier.arrive $0xFFFF;
	s2 =	simm.s32 @!p0 $0x1C01  }
0x4c: {  	[timem:s3], [sflag:s2] =	dma.local @!p0 [hbm:s0], s1  }
0x4d: {  	s0 =	simm.s32 @!p0 $0x1  }
0x4e: {  	_ =	swait.ge @!p0 [sflag:s0], s1  }
0x4f: {  	s1 =	ssub.s32 @!p0 $0x0, s1;
	[sflag:s0] =	ssyncset.done @!p0 $0x0  }
0x50: {  	[sflag:s0] =	ssyncadd.s32 @!p0 s1  }
0x51: {  	[bflag:$0x3] =	sbarrier.arrive $0xFFFF  }
0x52: {  	_ =	shalt  }

</sc_bundles>
